<compile_context>
chip_gen: v7x
topology: tpu7x:2x2x1
jax: 0.10.2.dev20260603
libtpu: 0.0.44.dev20260713+nightly
codegen_flags: <defaults>
</compile_context>

<pallas_src>
import jax
import jax.numpy as jnp
from jax import lax
from jax.experimental import pallas as pl
from jax.experimental.pallas import tpu as pltpu
from jax.experimental.pallas import tpu_sc as plsc

B = 1024
F = 26
V = 1000
D = 1024

NC = 2
NS = 16
NW = NC * NS
N = B * F
BW = B // NW
C = 16
NCH = F * BW // C
NBUF = 6
LAG = 3
LANES = 16


def _body(table_hbm, xt_hbm, out_hbm, idx_v, bufs, gsems, wsems):
    wid = lax.axis_index("s") * NC + lax.axis_index("c")
    b0 = wid * BW

    blk = pl.multiple_of((wid // 4) * 128, 128)
    co = (wid % 4) * BW
    pltpu.sync_copy(xt_hbm.at[:, pl.ds(blk, 128)], idx_v)
    for f in range(F):
        for h in range(BW // LANES):
            sl = pl.ds(co + h * LANES, LANES)
            idx_v[f, sl] = idx_v[f, sl] + f * V

    def start_gather(f, h, b):
        pltpu.async_copy(table_hbm.at[idx_v.at[f, pl.ds(co + h * LANES, C)]],
                         bufs[b], gsems[b])

    def wait_gather(b):
        pltpu.make_async_copy(out_hbm.at[pl.ds(0, C)], bufs[b],
                              gsems[b]).wait()

    def start_write(f, h, b):
        row = f * B + b0 + h * C
        pltpu.async_copy(bufs[b], out_hbm.at[pl.ds(row, C)], wsems[b])

    def wait_write(b):
        pltpu.make_async_copy(bufs[b], out_hbm.at[pl.ds(0, C)],
                              wsems[b]).wait()

    start_gather(0, 0, 0)
    start_gather(0, 1, 1)
    start_gather(1, 0, 2)
    wait_gather(0)
    start_write(0, 0, 0)
    start_gather(1, 1, 3)
    wait_gather(1)
    start_write(0, 1, 1)
    start_gather(2, 0, 4)
    wait_gather(2)
    start_write(1, 0, 2)
    start_gather(2, 1, 5)

    @pl.loop(NBUF, 48, step=NBUF)
    def _(c0):
        for k in range(NBUF):
            c = c0 + k
            fw = lax.shift_right_logical(c - LAG, 1)
            f = lax.shift_right_logical(c, 1)
            wait_gather((k + LAG) % NBUF)
            start_write(fw, (k - LAG) % 2, (k + LAG) % NBUF)
            wait_write(k)
            start_gather(f, k % 2, k)

    for c in range(48, 52):
        k = c % NBUF
        wait_gather((k + LAG) % NBUF)
        start_write((c - LAG) // 2, (c - LAG) % 2, (k + LAG) % NBUF)
        wait_write(k)
        start_gather(c // 2, c % 2, k)
    for c in range(52, 52 + LAG):
        k = c % NBUF
        wait_gather((k + LAG) % NBUF)
        start_write((c - LAG) // 2, (c - LAG) % 2, (k + LAG) % NBUF)
    for k in range(NBUF):
        wait_write(k)


def _encode(table, xt):
    mesh = plsc.VectorSubcoreMesh(core_axis_name="c", subcore_axis_name="s")
    return pl.kernel(
        _body,
        out_type=jax.ShapeDtypeStruct((N, D), jnp.float32),
        mesh=mesh,
        scratch_types=[
            pltpu.VMEM((F, 128), jnp.int32),
            tuple(pltpu.VMEM((C, D), jnp.float32) for _ in range(NBUF)),
            tuple(pltpu.SemaphoreType.DMA for _ in range(NBUF)),
            tuple(pltpu.SemaphoreType.DMA for _ in range(NBUF)),
        ],
    )(table, xt)


def kernel(x, hv_matrix):
    xt = jnp.transpose(x).astype(jnp.int32)
    table = hv_matrix.reshape(F * V, D)
    out = _encode(table, xt)
    return jnp.transpose(out.reshape(F, B, D), (1, 0, 2))

# --- scband reference (transcript-rebuilt; emitter-appended) ---
"""Pipeline reference for scband-categorical-encoder-32873679684018 (READ-ONLY COPY).

The authoritative reference and input builder live on the scoring server;
editing this copy changes nothing except your own understanding.
"""

import jax, jax.numpy as jnp
import numpy as np

BATCH = 1024
NUM_FEATURES = 26
VOCAB = 1000
DIM = 1024

def setup_inputs(seed: int = 0) -> dict:
    key = jax.random.key(seed)
    k1, k2 = jax.random.split(key)
    # categorical indices per sample, per feature field
    x = jax.random.randint(k1, (BATCH, NUM_FEATURES), 0, VOCAB, dtype=jnp.int64)
    # BSC hypervector tables: binary {0,1}, one table per feature field.
    # Original stores uint8; we store as float32 so values are identical but differentiable/gatherable in jnp.
    hv_matrix = (jax.random.uniform(k2, (NUM_FEATURES, VOCAB, DIM)) > 0.5).astype(jnp.float32)
    return {"x": x, "hv_matrix": hv_matrix}

def reference(x, hv_matrix):
    # forward: x.transpose_(1,0); sample_hv[i] = index_select(hv_matrix[i], 0, x[i]); permute(1,0,2)
    xt = jnp.transpose(x, (1, 0))  # [F, B]
    # per-field gather: sample_hv[i] = hv_matrix[i][xt[i]]
    sample_hv = jax.vmap(lambda table, idx: jnp.take(table, idx, axis=0))(hv_matrix, xt)  # [F, B, D]
    sample_hv = jnp.transpose(sample_hv, (1, 0, 2))  # [B, F, D]
    return sample_hv

if __name__ == "__main__":
    import jax
    _d = setup_inputs()
    print(jax.jit(kernel)(*tuple(_d.values())))

</pallas_src>

<mosaic_0001>
#map = affine_map<(d0, d1) -> (0, 0)>
module attributes {stable_mosaic.version = 14 : i64} {
  func.func @_body(%arg0: i32, %arg1: i32, %arg2: memref<26000x1024xf32, #tpu.memory_space<hbm>>, %arg3: memref<26x1024xi32, #tpu.memory_space<hbm>>, %arg4: memref<26624x1024xf32, #tpu.memory_space<hbm>>, %arg5: memref<26x128xi32, #tpu.memory_space<vmem>>, %arg6: memref<16x1024xf32, #tpu.memory_space<vmem>>, %arg7: memref<16x1024xf32, #tpu.memory_space<vmem>>, %arg8: memref<16x1024xf32, #tpu.memory_space<vmem>>, %arg9: memref<16x1024xf32, #tpu.memory_space<vmem>>, %arg10: memref<16x1024xf32, #tpu.memory_space<vmem>>, %arg11: memref<16x1024xf32, #tpu.memory_space<vmem>>, %arg12: memref<!tpu.dma_semaphore, #tpu.memory_space<semaphore_mem>>, %arg13: memref<!tpu.dma_semaphore, #tpu.memory_space<semaphore_mem>>, %arg14: memref<!tpu.dma_semaphore, #tpu.memory_space<semaphore_mem>>, %arg15: memref<!tpu.dma_semaphore, #tpu.memory_space<semaphore_mem>>, %arg16: memref<!tpu.dma_semaphore, #tpu.memory_space<semaphore_mem>>, %arg17: memref<!tpu.dma_semaphore, #tpu.memory_space<semaphore_mem>>, %arg18: memref<!tpu.dma_semaphore, #tpu.memory_space<semaphore_mem>>, %arg19: memref<!tpu.dma_semaphore, #tpu.memory_space<semaphore_mem>>, %arg20: memref<!tpu.dma_semaphore, #tpu.memory_space<semaphore_mem>>, %arg21: memref<!tpu.dma_semaphore, #tpu.memory_space<semaphore_mem>>, %arg22: memref<!tpu.dma_semaphore, #tpu.memory_space<semaphore_mem>>, %arg23: memref<!tpu.dma_semaphore, #tpu.memory_space<semaphore_mem>>) attributes {dimension_semantics = [#tpu.dimension_semantics<core_parallel>, #tpu.dimension_semantics<subcore_parallel>], iteration_bounds = array<i64: 2, 16>, scalar_prefetch = 0 : i64, scratch_operands = 19 : i64, tpu.core_type = #tpu.core_type<sc_vector_subcore>, window_params = [{transform_indices = #map}, {transform_indices = #map}, {transform_indices = #map}]} {
    %mul3A = arith.constant 2 : i32
    %mul3A_0 = arith.muli %arg1, %mul3A : i32
    %add3A = arith.addi %mul3A_0, %arg0 : i32
    %mul3A_1 = arith.constant 32 : i32
    %mul3A_2 = arith.muli %add3A, %mul3A_1 : i32
    %jit3A = arith.constant 4 : i32
    %div3A = arith.divsi %add3A, %jit3A : i32
    %sign3A = arith.constant 0 : i32
    %sign3A_3 = arith.cmpi sgt, %add3A, %sign3A : i32
    %sign3A_4 = arith.extui %sign3A_3 : i1 to i32
    %sign3A_5 = arith.constant 0 : i32
    %sign3A_6 = arith.cmpi slt, %add3A, %sign3A_5 : i32
    %sign3A_7 = arith.extui %sign3A_6 : i1 to i32
    %sign3A_8 = arith.subi %sign3A_4, %sign3A_7 : i32
    %sign3A_9 = arith.constant 0 : i32
    %sign3A_10 = arith.cmpi sgt, %jit3A, %sign3A_9 : i32
    %sign3A_11 = arith.extui %sign3A_10 : i1 to i32
    %sign3A_12 = arith.constant 0 : i32
    %sign3A_13 = arith.cmpi slt, %jit3A, %sign3A_12 : i32
    %sign3A_14 = arith.extui %sign3A_13 : i1 to i32
    %sign3A_15 = arith.subi %sign3A_11, %sign3A_14 : i32
    %ne3A = arith.cmpi ne, %sign3A_8, %sign3A_15 : i32
    %rem3A = arith.remsi %add3A, %jit3A : i32
    %ne3A_16 = arith.constant 0 : i32
    %ne3A_17 = arith.cmpi ne, %rem3A, %ne3A_16 : i32
    %and3A = arith.andi %ne3A, %ne3A_17 : i1
    %sub3A = arith.constant 1 : i32
    %sub3A_18 = arith.subi %div3A, %sub3A : i32
    %select_n3A = arith.select %and3A, %sub3A_18, %div3A : i32
    %mul3A_19 = arith.constant 128 : i32
    %mul3A_20 = arith.muli %select_n3A, %mul3A_19 : i32
    %multiple_of3A = tpu.assume_multiple %mul3A_20, 128 : i32
    %jit3A_21 = arith.constant 4 : i32
    %eq3A = arith.constant 0 : i32
    %eq3A_22 = arith.cmpi eq, %jit3A_21, %eq3A : i32
    %jit3A_23 = arith.constant 1 : i32
    %select_n3A_24 = arith.select %eq3A_22, %jit3A_23, %jit3A_21 : i32
    %rem3A_25 = arith.remsi %add3A, %select_n3A_24 : i32
    %ne3A_26 = arith.constant 0 : i32
    %ne3A_27 = arith.cmpi ne, %rem3A_25, %ne3A_26 : i32
    %lt3A = arith.constant 0 : i32
    %lt3A_28 = arith.cmpi slt, %rem3A_25, %lt3A : i32
    %lt3A_29 = arith.constant 0 : i32
    %lt3A_30 = arith.cmpi slt, %select_n3A_24, %lt3A_29 : i32
    %ne3A_31 = arith.xori %lt3A_28, %lt3A_30 : i1
    %and3A_32 = arith.andi %ne3A_31, %ne3A_27 : i1
    %add3A_33 = arith.addi %rem3A_25, %select_n3A_24 : i32
    %select_n3A_34 = arith.select %and3A_32, %add3A_33, %rem3A_25 : i32
    %mul3A_35 = arith.constant 32 : i32
    %mul3A_36 = arith.muli %select_n3A_34, %mul3A_35 : i32
    "tpu.region"() ({
      %run_scoped3A = tpu.sem_alloc : memref<!tpu.dma_semaphore, #tpu.memory_space<semaphore_mem>>
      %dma_start3A_1149 = arith.constant 0 : i32
      %dma_start3A_1150 = tpu.memref_slice %arg3[%dma_start3A_1149, %multiple_of3A] : memref<26x1024xi32, #tpu.memory_space<hbm>> -> memref<26x128xi32, #tpu.memory_space<hbm>>
      %dma_start3A_1151 = arith.constant 0 : i32
      %dma_start3A_1152 = tpu.memref_slice %arg3[%dma_start3A_1151, %multiple_of3A] : memref<26x1024xi32, #tpu.memory_space<hbm>> -> memref<26x128xi32, #tpu.memory_space<hbm>>
      tpu.enqueue_dma source(%dma_start3A_1152 : memref<26x128xi32, #tpu.memory_space<hbm>>) target(%arg5 : memref<26x128xi32, #tpu.memory_space<vmem>>) target_semaphore(%run_scoped3A : memref<!tpu.dma_semaphore, #tpu.memory_space<semaphore_mem>>)
      %dma_wait3A_1153 = arith.constant 0 : i32
      %dma_wait3A_1154 = tpu.memref_slice %arg3[%dma_wait3A_1153, %multiple_of3A] : memref<26x1024xi32, #tpu.memory_space<hbm>> -> memref<26x128xi32, #tpu.memory_space<hbm>>
      %dma_wait3A_1155 = arith.constant 0 : i32
      %dma_wait3A_1156 = tpu.memref_slice %arg3[%dma_wait3A_1155, %multiple_of3A] : memref<26x1024xi32, #tpu.memory_space<hbm>> -> memref<26x128xi32, #tpu.memory_space<hbm>>
      tpu.wait_dma2 semaphore(%run_scoped3A : memref<!tpu.dma_semaphore, #tpu.memory_space<semaphore_mem>>) src(%dma_wait3A_1156 : memref<26x128xi32, #tpu.memory_space<hbm>>) dst(%arg5 : memref<26x128xi32, #tpu.memory_space<vmem>>)
      tpu.yield
    }) : () -> ()
    %add3A_37 = arith.constant 0 : i32
    %add3A_38 = arith.addi %mul3A_36, %add3A_37 : i32
    %get3A = arith.constant 0 : i32
    %get3A_39 = arith.index_cast %get3A : i32 to index
    %get3A_40 = arith.index_cast %add3A_38 : i32 to index
    %get3A_41 = tpu.vector_load %arg5[%get3A_39, %get3A_40] {strides = array<i32>} : memref<26x128xi32, #tpu.memory_space<vmem>>, vector<1x16xi32>,
    %get3A_42 = vector.shape_cast %get3A_41 : vector<1x16xi32> to vector<16xi32>
    %add3A_43 = arith.constant 0 : i32
    %add3A_44 = vector.broadcast %add3A_43 : i32 to vector<16xi32>
    %add3A_45 = arith.addi %get3A_42, %add3A_44 : vector<16xi32>
    %swap3A = arith.constant 0 : i32
    %swap3A_46 = arith.index_cast %swap3A : i32 to index
    %swap3A_47 = arith.index_cast %add3A_38 : i32 to index
    %swap3A_48 = tpu.vector_load %arg5[%swap3A_46, %swap3A_47] {strides = array<i32>} : memref<26x128xi32, #tpu.memory_space<vmem>>, vector<1x16xi32>,
    %swap3A_49 = vector.shape_cast %swap3A_48 : vector<1x16xi32> to vector<16xi32>
    %swap3A_50 = vector.shape_cast %add3A_45 : vector<16xi32> to vector<1x16xi32>
    tpu.vector_store %arg5[%swap3A_46, %swap3A_47], %swap3A_50 {strides = array<i32>} : memref<26x128xi32, #tpu.memory_space<vmem>>, vector<1x16xi32>,
    %add3A_51 = arith.constant 16 : i32
    %add3A_52 = arith.addi %mul3A_36, %add3A_51 : i32
    %get3A_53 = arith.constant 0 : i32
    %get3A_54 = arith.index_cast %get3A_53 : i32 to index
    %get3A_55 = arith.index_cast %add3A_52 : i32 to index
    %get3A_56 = tpu.vector_load %arg5[%get3A_54, %get3A_55] {strides = array<i32>} : memref<26x128xi32, #tpu.memory_space<vmem>>, vector<1x16xi32>,
    %get3A_57 = vector.shape_cast %get3A_56 : vector<1x16xi32> to vector<16xi32>
    %add3A_58 = arith.constant 0 : i32
    %add3A_59 = vector.broadcast %add3A_58 : i32 to vector<16xi32>
    %add3A_60 = arith.addi %get3A_57, %add3A_59 : vector<16xi32>
    %swap3A_61 = arith.constant 0 : i32
    %swap3A_62 = arith.index_cast %swap3A_61 : i32 to index
    %swap3A_63 = arith.index_cast %add3A_52 : i32 to index
    %swap3A_64 = tpu.vector_load %arg5[%swap3A_62, %swap3A_63] {strides = array<i32>} : memref<26x128xi32, #tpu.memory_space<vmem>>, vector<1x16xi32>,
    %swap3A_65 = vector.shape_cast %swap3A_64 : vector<1x16xi32> to vector<16xi32>
    %swap3A_66 = vector.shape_cast %add3A_60 : vector<16xi32> to vector<1x16xi32>
    tpu.vector_store %arg5[%swap3A_62, %swap3A_63], %swap3A_66 {strides = array<i32>} : memref<26x128xi32, #tpu.memory_space<vmem>>, vector<1x16xi32>,
    %add3A_67 = arith.constant 0 : i32
    %add3A_68 = arith.addi %mul3A_36, %add3A_67 : i32
    %get3A_69 = arith.constant 1 : i32
    %get3A_70 = arith.index_cast %get3A_69 : i32 to index
    %get3A_71 = arith.index_cast %add3A_68 : i32 to index
    %get3A_72 = tpu.vector_load %arg5[%get3A_70, %get3A_71] {strides = array<i32>} : memref<26x128xi32, #tpu.memory_space<vmem>>, vector<1x16xi32>,
    %get3A_73 = vector.shape_cast %get3A_72 : vector<1x16xi32> to vector<16xi32>
    %add3A_74 = arith.constant 1000 : i32
    %add3A_75 = vector.broadcast %add3A_74 : i32 to vector<16xi32>
    %add3A_76 = arith.addi %get3A_73, %add3A_75 : vector<16xi32>
    %swap3A_77 = arith.constant 1 : i32
    %swap3A_78 = arith.index_cast %swap3A_77 : i32 to index
    %swap3A_79 = arith.index_cast %add3A_68 : i32 to index
    %swap3A_80 = tpu.vector_load %arg5[%swap3A_78, %swap3A_79] {strides = array<i32>} : memref<26x128xi32, #tpu.memory_space<vmem>>, vector<1x16xi32>,
    %swap3A_81 = vector.shape_cast %swap3A_80 : vector<1x16xi32> to vector<16xi32>
    %swap3A_82 = vector.shape_cast %add3A_76 : vector<16xi32> to vector<1x16xi32>
    tpu.vector_store %arg5[%swap3A_78, %swap3A_79], %swap3A_82 {strides = array<i32>} : memref<26x128xi32, #tpu.memory_space<vmem>>, vector<1x16xi32>,
    %add3A_83 = arith.constant 16 : i32
    %add3A_84 = arith.addi %mul3A_36, %add3A_83 : i32
    %get3A_85 = arith.constant 1 : i32
    %get3A_86 = arith.index_cast %get3A_85 : i32 to index
    %get3A_87 = arith.index_cast %add3A_84 : i32 to index
    %get3A_88 = tpu.vector_load %arg5[%get3A_86, %get3A_87] {strides = array<i32>} : memref<26x128xi32, #tpu.memory_space<vmem>>, vector<1x16xi32>,
    %get3A_89 = vector.shape_cast %get3A_88 : vector<1x16xi32> to vector<16xi32>
    %add3A_90 = arith.constant 1000 : i32
    %add3A_91 = vector.broadcast %add3A_90 : i32 to vector<16xi32>
    %add3A_92 = arith.addi %get3A_89, %add3A_91 : vector<16xi32>
    %swap3A_93 = arith.constant 1 : i32
    %swap3A_94 = arith.index_cast %swap3A_93 : i32 to index
    %swap3A_95 = arith.index_cast %add3A_84 : i32 to index
    %swap3A_96 = tpu.vector_load %arg5[%swap3A_94, %swap3A_95] {strides = array<i32>} : memref<26x128xi32, #tpu.memory_space<vmem>>, vector<1x16xi32>,
    %swap3A_97 = vector.shape_cast %swap3A_96 : vector<1x16xi32> to vector<16xi32>
    %swap3A_98 = vector.shape_cast %add3A_92 : vector<16xi32> to vector<1x16xi32>
    tpu.vector_store %arg5[%swap3A_94, %swap3A_95], %swap3A_98 {strides = array<i32>} : memref<26x128xi32, #tpu.memory_space<vmem>>, vector<1x16xi32>,
    %add3A_99 = arith.constant 0 : i32
    %add3A_100 = arith.addi %mul3A_36, %add3A_99 : i32
    %get3A_101 = arith.constant 2 : i32
    %get3A_102 = arith.index_cast %get3A_101 : i32 to index
    %get3A_103 = arith.index_cast %add3A_100 : i32 to index
    %get3A_104 = tpu.vector_load %arg5[%get3A_102, %get3A_103] {strides = array<i32>} : memref<26x128xi32, #tpu.memory_space<vmem>>, vector<1x16xi32>,
    %get3A_105 = vector.shape_cast %get3A_104 : vector<1x16xi32> to vector<16xi32>
    %add3A_106 = arith.constant 2000 : i32
    %add3A_107 = vector.broadcast %add3A_106 : i32 to vector<16xi32>
    %add3A_108 = arith.addi %get3A_105, %add3A_107 : vector<16xi32>
    %swap3A_109 = arith.constant 2 : i32
    %swap3A_110 = arith.index_cast %swap3A_109 : i32 to index
    %swap3A_111 = arith.index_cast %add3A_100 : i32 to index
    %swap3A_112 = tpu.vector_load %arg5[%swap3A_110, %swap3A_111] {strides = array<i32>} : memref<26x128xi32, #tpu.memory_space<vmem>>, vector<1x16xi32>,
    %swap3A_113 = vector.shape_cast %swap3A_112 : vector<1x16xi32> to vector<16xi32>
    %swap3A_114 = vector.shape_cast %add3A_108 : vector<16xi32> to vector<1x16xi32>
    tpu.vector_store %arg5[%swap3A_110, %swap3A_111], %swap3A_114 {strides = array<i32>} : memref<26x128xi32, #tpu.memory_space<vmem>>, vector<1x16xi32>,
    %add3A_115 = arith.constant 16 : i32
    %add3A_116 = arith.addi %mul3A_36, %add3A_115 : i32
    %get3A_117 = arith.constant 2 : i32
    %get3A_118 = arith.index_cast %get3A_117 : i32 to index
    %get3A_119 = arith.index_cast %add3A_116 : i32 to index
    %get3A_120 = tpu.vector_load %arg5[%get3A_118, %get3A_119] {strides = array<i32>} : memref<26x128xi32, #tpu.memory_space<vmem>>, vector<1x16xi32>,
    %get3A_121 = vector.shape_cast %get3A_120 : vector<1x16xi32> to vector<16xi32>
    %add3A_122 = arith.constant 2000 : i32
    %add3A_123 = vector.broadcast %add3A_122 : i32 to vector<16xi32>
    %add3A_124 = arith.addi %get3A_121, %add3A_123 : vector<16xi32>
    %swap3A_125 = arith.constant 2 : i32
    %swap3A_126 = arith.index_cast %swap3A_125 : i32 to index
    %swap3A_127 = arith.index_cast %add3A_116 : i32 to index
    %swap3A_128 = tpu.vector_load %arg5[%swap3A_126, %swap3A_127] {strides = array<i32>} : memref<26x128xi32, #tpu.memory_space<vmem>>, vector<1x16xi32>,
    %swap3A_129 = vector.shape_cast %swap3A_128 : vector<1x16xi32> to vector<16xi32>
    %swap3A_130 = vector.shape_cast %add3A_124 : vector<16xi32> to vector<1x16xi32>
    tpu.vector_store %arg5[%swap3A_126, %swap3A_127], %swap3A_130 {strides = array<i32>} : memref<26x128xi32, #tpu.memory_space<vmem>>, vector<1x16xi32>,
    %add3A_131 = arith.constant 0 : i32
    %add3A_132 = arith.addi %mul3A_36, %add3A_131 : i32
    %get3A_133 = arith.constant 3 : i32
    %get3A_134 = arith.index_cast %get3A_133 : i32 to index
    %get3A_135 = arith.index_cast %add3A_132 : i32 to index
    %get3A_136 = tpu.vector_load %arg5[%get3A_134, %get3A_135] {strides = array<i32>} : memref<26x128xi32, #tpu.memory_space<vmem>>, vector<1x16xi32>,
    %get3A_137 = vector.shape_cast %get3A_136 : vector<1x16xi32> to vector<16xi32>
    %add3A_138 = arith.constant 3000 : i32
    %add3A_139 = vector.broadcast %add3A_138 : i32 to vector<16xi32>
    %add3A_140 = arith.addi %get3A_137, %add3A_139 : vector<16xi32>
    %swap3A_141 = arith.constant 3 : i32
    %swap3A_142 = arith.index_cast %swap3A_141 : i32 to index
    %swap3A_143 = arith.index_cast %add3A_132 : i32 to index
    %swap3A_144 = tpu.vector_load %arg5[%swap3A_142, %swap3A_143] {strides = array<i32>} : memref<26x128xi32, #tpu.memory_space<vmem>>, vector<1x16xi32>,
    %swap3A_145 = vector.shape_cast %swap3A_144 : vector<1x16xi32> to vector<16xi32>
    %swap3A_146 = vector.shape_cast %add3A_140 : vector<16xi32> to vector<1x16xi32>
    tpu.vector_store %arg5[%swap3A_142, %swap3A_143], %swap3A_146 {strides = array<i32>} : memref<26x128xi32, #tpu.memory_space<vmem>>, vector<1x16xi32>,
    %add3A_147 = arith.constant 16 : i32
    %add3A_148 = arith.addi %mul3A_36, %add3A_147 : i32
    %get3A_149 = arith.constant 3 : i32
    %get3A_150 = arith.index_cast %get3A_149 : i32 to index
    %get3A_151 = arith.index_cast %add3A_148 : i32 to index
    %get3A_152 = tpu.vector_load %arg5[%get3A_150, %get3A_151] {strides = array<i32>} : memref<26x128xi32, #tpu.memory_space<vmem>>, vector<1x16xi32>,
    %get3A_153 = vector.shape_cast %get3A_152 : vector<1x16xi32> to vector<16xi32>
    %add3A_154 = arith.constant 3000 : i32
    %add3A_155 = vector.broadcast %add3A_154 : i32 to vector<16xi32>
    %add3A_156 = arith.addi %get3A_153, %add3A_155 : vector<16xi32>
    %swap3A_157 = arith.constant 3 : i32
    %swap3A_158 = arith.index_cast %swap3A_157 : i32 to index
    %swap3A_159 = arith.index_cast %add3A_148 : i32 to index
    %swap3A_160 = tpu.vector_load %arg5[%swap3A_158, %swap3A_159] {strides = array<i32>} : memref<26x128xi32, #tpu.memory_space<vmem>>, vector<1x16xi32>,
    %swap3A_161 = vector.shape_cast %swap3A_160 : vector<1x16xi32> to vector<16xi32>
    %swap3A_162 = vector.shape_cast %add3A_156 : vector<16xi32> to vector<1x16xi32>
    tpu.vector_store %arg5[%swap3A_158, %swap3A_159], %swap3A_162 {strides = array<i32>} : memref<26x128xi32, #tpu.memory_space<vmem>>, vector<1x16xi32>,
    %add3A_163 = arith.constant 0 : i32
    %add3A_164 = arith.addi %mul3A_36, %add3A_163 : i32
    %get3A_165 = arith.constant 4 : i32
    %get3A_166 = arith.index_cast %get3A_165 : i32 to index
    %get3A_167 = arith.index_cast %add3A_164 : i32 to index
    %get3A_168 = tpu.vector_load %arg5[%get3A_166, %get3A_167] {strides = array<i32>} : memref<26x128xi32, #tpu.memory_space<vmem>>, vector<1x16xi32>,
    %get3A_169 = vector.shape_cast %get3A_168 : vector<1x16xi32> to vector<16xi32>
    %add3A_170 = arith.constant 4000 : i32
    %add3A_171 = vector.broadcast %add3A_170 : i32 to vector<16xi32>
    %add3A_172 = arith.addi %get3A_169, %add3A_171 : vector<16xi32>
    %swap3A_173 = arith.constant 4 : i32
    %swap3A_174 = arith.index_cast %swap3A_173 : i32 to index
    %swap3A_175 = arith.index_cast %add3A_164 : i32 to index
    %swap3A_176 = tpu.vector_load %arg5[%swap3A_174, %swap3A_175] {strides = array<i32>} : memref<26x128xi32, #tpu.memory_space<vmem>>, vector<1x16xi32>,
    %swap3A_177 = vector.shape_cast %swap3A_176 : vector<1x16xi32> to vector<16xi32>
    %swap3A_178 = vector.shape_cast %add3A_172 : vector<16xi32> to vector<1x16xi32>
    tpu.vector_store %arg5[%swap3A_174, %swap3A_175], %swap3A_178 {strides = array<i32>} : memref<26x128xi32, #tpu.memory_space<vmem>>, vector<1x16xi32>,
    %add3A_179 = arith.constant 16 : i32
    %add3A_180 = arith.addi %mul3A_36, %add3A_179 : i32
    %get3A_181 = arith.constant 4 : i32
    %get3A_182 = arith.index_cast %get3A_181 : i32 to index
    %get3A_183 = arith.index_cast %add3A_180 : i32 to index
    %get3A_184 = tpu.vector_load %arg5[%get3A_182, %get3A_183] {strides = array<i32>} : memref<26x128xi32, #tpu.memory_space<vmem>>, vector<1x16xi32>,
    %get3A_185 = vector.shape_cast %get3A_184 : vector<1x16xi32> to vector<16xi32>
    %add3A_186 = arith.constant 4000 : i32
    %add3A_187 = vector.broadcast %add3A_186 : i32 to vector<16xi32>
    %add3A_188 = arith.addi %get3A_185, %add3A_187 : vector<16xi32>
    %swap3A_189 = arith.constant 4 : i32
    %swap3A_190 = arith.index_cast %swap3A_189 : i32 to index
    %swap3A_191 = arith.index_cast %add3A_180 : i32 to index
    %swap3A_192 = tpu.vector_load %arg5[%swap3A_190, %swap3A_191] {strides = array<i32>} : memref<26x128xi32, #tpu.memory_space<vmem>>, vector<1x16xi32>,
    %swap3A_193 = vector.shape_cast %swap3A_192 : vector<1x16xi32> to vector<16xi32>
    %swap3A_194 = vector.shape_cast %add3A_188 : vector<16xi32> to vector<1x16xi32>
    tpu.vector_store %arg5[%swap3A_190, %swap3A_191], %swap3A_194 {strides = array<i32>} : memref<26x128xi32, #tpu.memory_space<vmem>>, vector<1x16xi32>,
    %add3A_195 = arith.constant 0 : i32
    %add3A_196 = arith.addi %mul3A_36, %add3A_195 : i32
    %get3A_197 = arith.constant 5 : i32
    %get3A_198 = arith.index_cast %get3A_197 : i32 to index
    %get3A_199 = arith.index_cast %add3A_196 : i32 to index
    %get3A_200 = tpu.vector_load %arg5[%get3A_198, %get3A_199] {strides = array<i32>} : memref<26x128xi32, #tpu.memory_space<vmem>>, vector<1x16xi32>,
    %get3A_201 = vector.shape_cast %get3A_200 : vector<1x16xi32> to vector<16xi32>
    %add3A_202 = arith.constant 5000 : i32
    %add3A_203 = vector.broadcast %add3A_202 : i32 to vector<16xi32>
    %add3A_204 = arith.addi %get3A_201, %add3A_203 : vector<16xi32>
    %swap3A_205 = arith.constant 5 : i32
    %swap3A_206 = arith.index_cast %swap3A_205 : i32 to index
    %swap3A_207 = arith.index_cast %add3A_196 : i32 to index
    %swap3A_208 = tpu.vector_load %arg5[%swap3A_206, %swap3A_207] {strides = array<i32>} : memref<26x128xi32, #tpu.memory_space<vmem>>, vector<1x16xi32>,
    %swap3A_209 = vector.shape_cast %swap3A_208 : vector<1x16xi32> to vector<16xi32>
    %swap3A_210 = vector.shape_cast %add3A_204 : vector<16xi32> to vector<1x16xi32>
    tpu.vector_store %arg5[%swap3A_206, %swap3A_207], %swap3A_210 {strides = array<i32>} : memref<26x128xi32, #tpu.memory_space<vmem>>, vector<1x16xi32>,
    %add3A_211 = arith.constant 16 : i32
    %add3A_212 = arith.addi %mul3A_36, %add3A_211 : i32
    %get3A_213 = arith.constant 5 : i32
    %get3A_214 = arith.index_cast %get3A_213 : i32 to index
    %get3A_215 = arith.index_cast %add3A_212 : i32 to index
    %get3A_216 = tpu.vector_load %arg5[%get3A_214, %get3A_215] {strides = array<i32>} : memref<26x128xi32, #tpu.memory_space<vmem>>, vector<1x16xi32>,
    %get3A_217 = vector.shape_cast %get3A_216 : vector<1x16xi32> to vector<16xi32>
    %add3A_218 = arith.constant 5000 : i32
    %add3A_219 = vector.broadcast %add3A_218 : i32 to vector<16xi32>
    %add3A_220 = arith.addi %get3A_217, %add3A_219 : vector<16xi32>
    %swap3A_221 = arith.constant 5 : i32
    %swap3A_222 = arith.index_cast %swap3A_221 : i32 to index
    %swap3A_223 = arith.index_cast %add3A_212 : i32 to index
    %swap3A_224 = tpu.vector_load %arg5[%swap3A_222, %swap3A_223] {strides = array<i32>} : memref<26x128xi32, #tpu.memory_space<vmem>>, vector<1x16xi32>,
    %swap3A_225 = vector.shape_cast %swap3A_224 : vector<1x16xi32> to vector<16xi32>
    %swap3A_226 = vector.shape_cast %add3A_220 : vector<16xi32> to vector<1x16xi32>
    tpu.vector_store %arg5[%swap3A_222, %swap3A_223], %swap3A_226 {strides = array<i32>} : memref<26x128xi32, #tpu.memory_space<vmem>>, vector<1x16xi32>,
    %add3A_227 = arith.constant 0 : i32
    %add3A_228 = arith.addi %mul3A_36, %add3A_227 : i32
    %get3A_229 = arith.constant 6 : i32
    %get3A_230 = arith.index_cast %get3A_229 : i32 to index
    %get3A_231 = arith.index_cast %add3A_228 : i32 to index
    %get3A_232 = tpu.vector_load %arg5[%get3A_230, %get3A_231] {strides = array<i32>} : memref<26x128xi32, #tpu.memory_space<vmem>>, vector<1x16xi32>,
    %get3A_233 = vector.shape_cast %get3A_232 : vector<1x16xi32> to vector<16xi32>
    %add3A_234 = arith.constant 6000 : i32
    %add3A_235 = vector.broadcast %add3A_234 : i32 to vector<16xi32>
    %add3A_236 = arith.addi %get3A_233, %add3A_235 : vector<16xi32>
    %swap3A_237 = arith.constant 6 : i32
    %swap3A_238 = arith.index_cast %swap3A_237 : i32 to index
    %swap3A_239 = arith.index_cast %add3A_228 : i32 to index
    %swap3A_240 = tpu.vector_load %arg5[%swap3A_238, %swap3A_239] {strides = array<i32>} : memref<26x128xi32, #tpu.memory_space<vmem>>, vector<1x16xi32>,
    %swap3A_241 = vector.shape_cast %swap3A_240 : vector<1x16xi32> to vector<16xi32>
    %swap3A_242 = vector.shape_cast %add3A_236 : vector<16xi32> to vector<1x16xi32>
    tpu.vector_store %arg5[%swap3A_238, %swap3A_239], %swap3A_242 {strides = array<i32>} : memref<26x128xi32, #tpu.memory_space<vmem>>, vector<1x16xi32>,
    %add3A_243 = arith.constant 16 : i32
    %add3A_244 = arith.addi %mul3A_36, %add3A_243 : i32
    %get3A_245 = arith.constant 6 : i32
    %get3A_246 = arith.index_cast %get3A_245 : i32 to index
    %get3A_247 = arith.index_cast %add3A_244 : i32 to index
    %get3A_248 = tpu.vector_load %arg5[%get3A_246, %get3A_247] {strides = array<i32>} : memref<26x128xi32, #tpu.memory_space<vmem>>, vector<1x16xi32>,
    %get3A_249 = vector.shape_cast %get3A_248 : vector<1x16xi32> to vector<16xi32>
    %add3A_250 = arith.constant 6000 : i32
    %add3A_251 = vector.broadcast %add3A_250 : i32 to vector<16xi32>
    %add3A_252 = arith.addi %get3A_249, %add3A_251 : vector<16xi32>
    %swap3A_253 = arith.constant 6 : i32
    %swap3A_254 = arith.index_cast %swap3A_253 : i32 to index
    %swap3A_255 = arith.index_cast %add3A_244 : i32 to index
    %swap3A_256 = tpu.vector_load %arg5[%swap3A_254, %swap3A_255] {strides = array<i32>} : memref<26x128xi32, #tpu.memory_space<vmem>>, vector<1x16xi32>,
    %swap3A_257 = vector.shape_cast %swap3A_256 : vector<1x16xi32> to vector<16xi32>
    %swap3A_258 = vector.shape_cast %add3A_252 : vector<16xi32> to vector<1x16xi32>
    tpu.vector_store %arg5[%swap3A_254, %swap3A_255], %swap3A_258 {strides = array<i32>} : memref<26x128xi32, #tpu.memory_space<vmem>>, vector<1x16xi32>,
    %add3A_259 = arith.constant 0 : i32
    %add3A_260 = arith.addi %mul3A_36, %add3A_259 : i32
    %get3A_261 = arith.constant 7 : i32
    %get3A_262 = arith.index_cast %get3A_261 : i32 to index
    %get3A_263 = arith.index_cast %add3A_260 : i32 to index
    %get3A_264 = tpu.vector_load %arg5[%get3A_262, %get3A_263] {strides = array<i32>} : memref<26x128xi32, #tpu.memory_space<vmem>>, vector<1x16xi32>,
    %get3A_265 = vector.shape_cast %get3A_264 : vector<1x16xi32> to vector<16xi32>
    %add3A_266 = arith.constant 7000 : i32
    %add3A_267 = vector.broadcast %add3A_266 : i32 to vector<16xi32>
    %add3A_268 = arith.addi %get3A_265, %add3A_267 : vector<16xi32>
    %swap3A_269 = arith.constant 7 : i32
    %swap3A_270 = arith.index_cast %swap3A_269 : i32 to index
    %swap3A_271 = arith.index_cast %add3A_260 : i32 to index
    %swap3A_272 = tpu.vector_load %arg5[%swap3A_270, %swap3A_271] {strides = array<i32>} : memref<26x128xi32, #tpu.memory_space<vmem>>, vector<1x16xi32>,
    %swap3A_273 = vector.shape_cast %swap3A_272 : vector<1x16xi32> to vector<16xi32>
    %swap3A_274 = vector.shape_cast %add3A_268 : vector<16xi32> to vector<1x16xi32>
    tpu.vector_store %arg5[%swap3A_270, %swap3A_271], %swap3A_274 {strides = array<i32>} : memref<26x128xi32, #tpu.memory_space<vmem>>, vector<1x16xi32>,
    %add3A_275 = arith.constant 16 : i32
    %add3A_276 = arith.addi %mul3A_36, %add3A_275 : i32
    %get3A_277 = arith.constant 7 : i32
    %get3A_278 = arith.index_cast %get3A_277 : i32 to index
    %get3A_279 = arith.index_cast %add3A_276 : i32 to index
    %get3A_280 = tpu.vector_load %arg5[%get3A_278, %get3A_279] {strides = array<i32>} : memref<26x128xi32, #tpu.memory_space<vmem>>, vector<1x16xi32>,
    %get3A_281 = vector.shape_cast %get3A_280 : vector<1x16xi32> to vector<16xi32>
    %add3A_282 = arith.constant 7000 : i32
    %add3A_283 = vector.broadcast %add3A_282 : i32 to vector<16xi32>
    %add3A_284 = arith.addi %get3A_281, %add3A_283 : vector<16xi32>
    %swap3A_285 = arith.constant 7 : i32
    %swap3A_286 = arith.index_cast %swap3A_285 : i32 to index
    %swap3A_287 = arith.index_cast %add3A_276 : i32 to index
    %swap3A_288 = tpu.vector_load %arg5[%swap3A_286, %swap3A_287] {strides = array<i32>} : memref<26x128xi32, #tpu.memory_space<vmem>>, vector<1x16xi32>,
    %swap3A_289 = vector.shape_cast %swap3A_288 : vector<1x16xi32> to vector<16xi32>
    %swap3A_290 = vector.shape_cast %add3A_284 : vector<16xi32> to vector<1x16xi32>
    tpu.vector_store %arg5[%swap3A_286, %swap3A_287], %swap3A_290 {strides = array<i32>} : memref<26x128xi32, #tpu.memory_space<vmem>>, vector<1x16xi32>,
    %add3A_291 = arith.constant 0 : i32
    %add3A_292 = arith.addi %mul3A_36, %add3A_291 : i32
    %get3A_293 = arith.constant 8 : i32
    %get3A_294 = arith.index_cast %get3A_293 : i32 to index
    %get3A_295 = arith.index_cast %add3A_292 : i32 to index
    %get3A_296 = tpu.vector_load %arg5[%get3A_294, %get3A_295] {strides = array<i32>} : memref<26x128xi32, #tpu.memory_space<vmem>>, vector<1x16xi32>,
    %get3A_297 = vector.shape_cast %get3A_296 : vector<1x16xi32> to vector<16xi32>
    %add3A_298 = arith.constant 8000 : i32
    %add3A_299 = vector.broadcast %add3A_298 : i32 to vector<16xi32>
    %add3A_300 = arith.addi %get3A_297, %add3A_299 : vector<16xi32>
    %swap3A_301 = arith.constant 8 : i32
    %swap3A_302 = arith.index_cast %swap3A_301 : i32 to index
    %swap3A_303 = arith.index_cast %add3A_292 : i32 to index
    %swap3A_304 = tpu.vector_load %arg5[%swap3A_302, %swap3A_303] {strides = array<i32>} : memref<26x128xi32, #tpu.memory_space<vmem>>, vector<1x16xi32>,
    %swap3A_305 = vector.shape_cast %swap3A_304 : vector<1x16xi32> to vector<16xi32>
    %swap3A_306 = vector.shape_cast %add3A_300 : vector<16xi32> to vector<1x16xi32>
    tpu.vector_store %arg5[%swap3A_302, %swap3A_303], %swap3A_306 {strides = array<i32>} : memref<26x128xi32, #tpu.memory_space<vmem>>, vector<1x16xi32>,
    %add3A_307 = arith.constant 16 : i32
    %add3A_308 = arith.addi %mul3A_36, %add3A_307 : i32
    %get3A_309 = arith.constant 8 : i32
    %get3A_310 = arith.index_cast %get3A_309 : i32 to index
    %get3A_311 = arith.index_cast %add3A_308 : i32 to index
    %get3A_312 = tpu.vector_load %arg5[%get3A_310, %get3A_311] {strides = array<i32>} : memref<26x128xi32, #tpu.memory_space<vmem>>, vector<1x16xi32>,
    %get3A_313 = vector.shape_cast %get3A_312 : vector<1x16xi32> to vector<16xi32>
    %add3A_314 = arith.constant 8000 : i32
    %add3A_315 = vector.broadcast %add3A_314 : i32 to vector<16xi32>
    %add3A_316 = arith.addi %get3A_313, %add3A_315 : vector<16xi32>
    %swap3A_317 = arith.constant 8 : i32
    %swap3A_318 = arith.index_cast %swap3A_317 : i32 to index
    %swap3A_319 = arith.index_cast %add3A_308 : i32 to index
    %swap3A_320 = tpu.vector_load %arg5[%swap3A_318, %swap3A_319] {strides = array<i32>} : memref<26x128xi32, #tpu.memory_space<vmem>>, vector<1x16xi32>,
    %swap3A_321 = vector.shape_cast %swap3A_320 : vector<1x16xi32> to vector<16xi32>
    %swap3A_322 = vector.shape_cast %add3A_316 : vector<16xi32> to vector<1x16xi32>
    tpu.vector_store %arg5[%swap3A_318, %swap3A_319], %swap3A_322 {strides = array<i32>} : memref<26x128xi32, #tpu.memory_space<vmem>>, vector<1x16xi32>,
    %add3A_323 = arith.constant 0 : i32
    %add3A_324 = arith.addi %mul3A_36, %add3A_323 : i32
    %get3A_325 = arith.constant 9 : i32
    %get3A_326 = arith.index_cast %get3A_325 : i32 to index
    %get3A_327 = arith.index_cast %add3A_324 : i32 to index
    %get3A_328 = tpu.vector_load %arg5[%get3A_326, %get3A_327] {strides = array<i32>} : memref<26x128xi32, #tpu.memory_space<vmem>>, vector<1x16xi32>,
    %get3A_329 = vector.shape_cast %get3A_328 : vector<1x16xi32> to vector<16xi32>
    %add3A_330 = arith.constant 9000 : i32
    %add3A_331 = vector.broadcast %add3A_330 : i32 to vector<16xi32>
    %add3A_332 = arith.addi %get3A_329, %add3A_331 : vector<16xi32>
    %swap3A_333 = arith.constant 9 : i32
    %swap3A_334 = arith.index_cast %swap3A_333 : i32 to index
    %swap3A_335 = arith.index_cast %add3A_324 : i32 to index
    %swap3A_336 = tpu.vector_load %arg5[%swap3A_334, %swap3A_335] {strides = array<i32>} : memref<26x128xi32, #tpu.memory_space<vmem>>, vector<1x16xi32>,
    %swap3A_337 = vector.shape_cast %swap3A_336 : vector<1x16xi32> to vector<16xi32>
    %swap3A_338 = vector.shape_cast %add3A_332 : vector<16xi32> to vector<1x16xi32>
    tpu.vector_store %arg5[%swap3A_334, %swap3A_335], %swap3A_338 {strides = array<i32>} : memref<26x128xi32, #tpu.memory_space<vmem>>, vector<1x16xi32>,
    %add3A_339 = arith.constant 16 : i32
    %add3A_340 = arith.addi %mul3A_36, %add3A_339 : i32
    %get3A_341 = arith.constant 9 : i32
    %get3A_342 = arith.index_cast %get3A_341 : i32 to index
    %get3A_343 = arith.index_cast %add3A_340 : i32 to index
    %get3A_344 = tpu.vector_load %arg5[%get3A_342, %get3A_343] {strides = array<i32>} : memref<26x128xi32, #tpu.memory_space<vmem>>, vector<1x16xi32>,
    %get3A_345 = vector.shape_cast %get3A_344 : vector<1x16xi32> to vector<16xi32>
    %add3A_346 = arith.constant 9000 : i32
    %add3A_347 = vector.broadcast %add3A_346 : i32 to vector<16xi32>
    %add3A_348 = arith.addi %get3A_345, %add3A_347 : vector<16xi32>
    %swap3A_349 = arith.constant 9 : i32
    %swap3A_350 = arith.index_cast %swap3A_349 : i32 to index
    %swap3A_351 = arith.index_cast %add3A_340 : i32 to index
    %swap3A_352 = tpu.vector_load %arg5[%swap3A_350, %swap3A_351] {strides = array<i32>} : memref<26x128xi32, #tpu.memory_space<vmem>>, vector<1x16xi32>,
    %swap3A_353 = vector.shape_cast %swap3A_352 : vector<1x16xi32> to vector<16xi32>
    %swap3A_354 = vector.shape_cast %add3A_348 : vector<16xi32> to vector<1x16xi32>
    tpu.vector_store %arg5[%swap3A_350, %swap3A_351], %swap3A_354 {strides = array<i32>} : memref<26x128xi32, #tpu.memory_space<vmem>>, vector<1x16xi32>,
    %add3A_355 = arith.constant 0 : i32
    %add3A_356 = arith.addi %mul3A_36, %add3A_355 : i32
    %get3A_357 = arith.constant 10 : i32
    %get3A_358 = arith.index_cast %get3A_357 : i32 to index
    %get3A_359 = arith.index_cast %add3A_356 : i32 to index
    %get3A_360 = tpu.vector_load %arg5[%get3A_358, %get3A_359] {strides = array<i32>} : memref<26x128xi32, #tpu.memory_space<vmem>>, vector<1x16xi32>,
    %get3A_361 = vector.shape_cast %get3A_360 : vector<1x16xi32> to vector<16xi32>
    %add3A_362 = arith.constant 10000 : i32
    %add3A_363 = vector.broadcast %add3A_362 : i32 to vector<16xi32>
    %add3A_364 = arith.addi %get3A_361, %add3A_363 : vector<16xi32>
    %swap3A_365 = arith.constant 10 : i32
    %swap3A_366 = arith.index_cast %swap3A_365 : i32 to index
    %swap3A_367 = arith.index_cast %add3A_356 : i32 to index
    %swap3A_368 = tpu.vector_load %arg5[%swap3A_366, %swap3A_367] {strides = array<i32>} : memref<26x128xi32, #tpu.memory_space<vmem>>, vector<1x16xi32>,
    %swap3A_369 = vector.shape_cast %swap3A_368 : vector<1x16xi32> to vector<16xi32>
    %swap3A_370 = vector.shape_cast %add3A_364 : vector<16xi32> to vector<1x16xi32>
    tpu.vector_store %arg5[%swap3A_366, %swap3A_367], %swap3A_370 {strides = array<i32>} : memref<26x128xi32, #tpu.memory_space<vmem>>, vector<1x16xi32>,
    %add3A_371 = arith.constant 16 : i32
    %add3A_372 = arith.addi %mul3A_36, %add3A_371 : i32
    %get3A_373 = arith.constant 10 : i32
    %get3A_374 = arith.index_cast %get3A_373 : i32 to index
    %get3A_375 = arith.index_cast %add3A_372 : i32 to index
    %get3A_376 = tpu.vector_load %arg5[%get3A_374, %get3A_375] {strides = array<i32>} : memref<26x128xi32, #tpu.memory_space<vmem>>, vector<1x16xi32>,
    %get3A_377 = vector.shape_cast %get3A_376 : vector<1x16xi32> to vector<16xi32>
    %add3A_378 = arith.constant 10000 : i32
    %add3A_379 = vector.broadcast %add3A_378 : i32 to vector<16xi32>
    %add3A_380 = arith.addi %get3A_377, %add3A_379 : vector<16xi32>
    %swap3A_381 = arith.constant 10 : i32
    %swap3A_382 = arith.index_cast %swap3A_381 : i32 to index
    %swap3A_383 = arith.index_cast %add3A_372 : i32 to index
    %swap3A_384 = tpu.vector_load %arg5[%swap3A_382, %swap3A_383] {strides = array<i32>} : memref<26x128xi32, #tpu.memory_space<vmem>>, vector<1x16xi32>,
    %swap3A_385 = vector.shape_cast %swap3A_384 : vector<1x16xi32> to vector<16xi32>
    %swap3A_386 = vector.shape_cast %add3A_380 : vector<16xi32> to vector<1x16xi32>
    tpu.vector_store %arg5[%swap3A_382, %swap3A_383], %swap3A_386 {strides = array<i32>} : memref<26x128xi32, #tpu.memory_space<vmem>>, vector<1x16xi32>,
    %add3A_387 = arith.constant 0 : i32
    %add3A_388 = arith.addi %mul3A_36, %add3A_387 : i32
    %get3A_389 = arith.constant 11 : i32
    %get3A_390 = arith.index_cast %get3A_389 : i32 to index
    %get3A_391 = arith.index_cast %add3A_388 : i32 to index
    %get3A_392 = tpu.vector_load %arg5[%get3A_390, %get3A_391] {strides = array<i32>} : memref<26x128xi32, #tpu.memory_space<vmem>>, vector<1x16xi32>,
    %get3A_393 = vector.shape_cast %get3A_392 : vector<1x16xi32> to vector<16xi32>
    %add3A_394 = arith.constant 11000 : i32
    %add3A_395 = vector.broadcast %add3A_394 : i32 to vector<16xi32>
    %add3A_396 = arith.addi %get3A_393, %add3A_395 : vector<16xi32>
    %swap3A_397 = arith.constant 11 : i32
    %swap3A_398 = arith.index_cast %swap3A_397 : i32 to index
    %swap3A_399 = arith.index_cast %add3A_388 : i32 to index
    %swap3A_400 = tpu.vector_load %arg5[%swap3A_398, %swap3A_399] {strides = array<i32>} : memref<26x128xi32, #tpu.memory_space<vmem>>, vector<1x16xi32>,
    %swap3A_401 = vector.shape_cast %swap3A_400 : vector<1x16xi32> to vector<16xi32>
    %swap3A_402 = vector.shape_cast %add3A_396 : vector<16xi32> to vector<1x16xi32>
    tpu.vector_store %arg5[%swap3A_398, %swap3A_399], %swap3A_402 {strides = array<i32>} : memref<26x128xi32, #tpu.memory_space<vmem>>, vector<1x16xi32>,
    %add3A_403 = arith.constant 16 : i32
    %add3A_404 = arith.addi %mul3A_36, %add3A_403 : i32
    %get3A_405 = arith.constant 11 : i32
    %get3A_406 = arith.index_cast %get3A_405 : i32 to index
    %get3A_407 = arith.index_cast %add3A_404 : i32 to index
    %get3A_408 = tpu.vector_load %arg5[%get3A_406, %get3A_407] {strides = array<i32>} : memref<26x128xi32, #tpu.memory_space<vmem>>, vector<1x16xi32>,
    %get3A_409 = vector.shape_cast %get3A_408 : vector<1x16xi32> to vector<16xi32>
    %add3A_410 = arith.constant 11000 : i32
    %add3A_411 = vector.broadcast %add3A_410 : i32 to vector<16xi32>
    %add3A_412 = arith.addi %get3A_409, %add3A_411 : vector<16xi32>
    %swap3A_413 = arith.constant 11 : i32
    %swap3A_414 = arith.index_cast %swap3A_413 : i32 to index
    %swap3A_415 = arith.index_cast %add3A_404 : i32 to index
    %swap3A_416 = tpu.vector_load %arg5[%swap3A_414, %swap3A_415] {strides = array<i32>} : memref<26x128xi32, #tpu.memory_space<vmem>>, vector<1x16xi32>,
    %swap3A_417 = vector.shape_cast %swap3A_416 : vector<1x16xi32> to vector<16xi32>
    %swap3A_418 = vector.shape_cast %add3A_412 : vector<16xi32> to vector<1x16xi32>
    tpu.vector_store %arg5[%swap3A_414, %swap3A_415], %swap3A_418 {strides = array<i32>} : memref<26x128xi32, #tpu.memory_space<vmem>>, vector<1x16xi32>,
    %add3A_419 = arith.constant 0 : i32
    %add3A_420 = arith.addi %mul3A_36, %add3A_419 : i32
    %get3A_421 = arith.constant 12 : i32
    %get3A_422 = arith.index_cast %get3A_421 : i32 to index
    %get3A_423 = arith.index_cast %add3A_420 : i32 to index
    %get3A_424 = tpu.vector_load %arg5[%get3A_422, %get3A_423] {strides = array<i32>} : memref<26x128xi32, #tpu.memory_space<vmem>>, vector<1x16xi32>,
    %get3A_425 = vector.shape_cast %get3A_424 : vector<1x16xi32> to vector<16xi32>
    %add3A_426 = arith.constant 12000 : i32
    %add3A_427 = vector.broadcast %add3A_426 : i32 to vector<16xi32>
    %add3A_428 = arith.addi %get3A_425, %add3A_427 : vector<16xi32>
    %swap3A_429 = arith.constant 12 : i32
    %swap3A_430 = arith.index_cast %swap3A_429 : i32 to index
    %swap3A_431 = arith.index_cast %add3A_420 : i32 to index
    %swap3A_432 = tpu.vector_load %arg5[%swap3A_430, %swap3A_431] {strides = array<i32>} : memref<26x128xi32, #tpu.memory_space<vmem>>, vector<1x16xi32>,
    %swap3A_433 = vector.shape_cast %swap3A_432 : vector<1x16xi32> to vector<16xi32>
    %swap3A_434 = vector.shape_cast %add3A_428 : vector<16xi32> to vector<1x16xi32>
    tpu.vector_store %arg5[%swap3A_430, %swap3A_431], %swap3A_434 {strides = array<i32>} : memref<26x128xi32, #tpu.memory_space<vmem>>, vector<1x16xi32>,
    %add3A_435 = arith.constant 16 : i32
    %add3A_436 = arith.addi %mul3A_36, %add3A_435 : i32
    %get3A_437 = arith.constant 12 : i32
    %get3A_438 = arith.index_cast %get3A_437 : i32 to index
    %get3A_439 = arith.index_cast %add3A_436 : i32 to index
    %get3A_440 = tpu.vector_load %arg5[%get3A_438, %get3A_439] {strides = array<i32>} : memref<26x128xi32, #tpu.memory_space<vmem>>, vector<1x16xi32>,
    %get3A_441 = vector.shape_cast %get3A_440 : vector<1x16xi32> to vector<16xi32>
    %add3A_442 = arith.constant 12000 : i32
    %add3A_443 = vector.broadcast %add3A_442 : i32 to vector<16xi32>
    %add3A_444 = arith.addi %get3A_441, %add3A_443 : vector<16xi32>
    %swap3A_445 = arith.constant 12 : i32
    %swap3A_446 = arith.index_cast %swap3A_445 : i32 to index
    %swap3A_447 = arith.index_cast %add3A_436 : i32 to index
    %swap3A_448 = tpu.vector_load %arg5[%swap3A_446, %swap3A_447] {strides = array<i32>} : memref<26x128xi32, #tpu.memory_space<vmem>>, vector<1x16xi32>,
    %swap3A_449 = vector.shape_cast %swap3A_448 : vector<1x16xi32> to vector<16xi32>
    %swap3A_450 = vector.shape_cast %add3A_444 : vector<16xi32> to vector<1x16xi32>
    tpu.vector_store %arg5[%swap3A_446, %swap3A_447], %swap3A_450 {strides = array<i32>} : memref<26x128xi32, #tpu.memory_space<vmem>>, vector<1x16xi32>,
    %add3A_451 = arith.constant 0 : i32
    %add3A_452 = arith.addi %mul3A_36, %add3A_451 : i32
    %get3A_453 = arith.constant 13 : i32
    %get3A_454 = arith.index_cast %get3A_453 : i32 to index
    %get3A_455 = arith.index_cast %add3A_452 : i32 to index
    %get3A_456 = tpu.vector_load %arg5[%get3A_454, %get3A_455] {strides = array<i32>} : memref<26x128xi32, #tpu.memory_space<vmem>>, vector<1x16xi32>,
    %get3A_457 = vector.shape_cast %get3A_456 : vector<1x16xi32> to vector<16xi32>
    %add3A_458 = arith.constant 13000 : i32
    %add3A_459 = vector.broadcast %add3A_458 : i32 to vector<16xi32>
    %add3A_460 = arith.addi %get3A_457, %add3A_459 : vector<16xi32>
    %swap3A_461 = arith.constant 13 : i32
    %swap3A_462 = arith.index_cast %swap3A_461 : i32 to index
    %swap3A_463 = arith.index_cast %add3A_452 : i32 to index
    %swap3A_464 = tpu.vector_load %arg5[%swap3A_462, %swap3A_463] {strides = array<i32>} : memref<26x128xi32, #tpu.memory_space<vmem>>, vector<1x16xi32>,
    %swap3A_465 = vector.shape_cast %swap3A_464 : vector<1x16xi32> to vector<16xi32>
    %swap3A_466 = vector.shape_cast %add3A_460 : vector<16xi32> to vector<1x16xi32>
    tpu.vector_store %arg5[%swap3A_462, %swap3A_463], %swap3A_466 {strides = array<i32>} : memref<26x128xi32, #tpu.memory_space<vmem>>, vector<1x16xi32>,
    %add3A_467 = arith.constant 16 : i32
    %add3A_468 = arith.addi %mul3A_36, %add3A_467 : i32
    %get3A_469 = arith.constant 13 : i32
    %get3A_470 = arith.index_cast %get3A_469 : i32 to index
    %get3A_471 = arith.index_cast %add3A_468 : i32 to index
    %get3A_472 = tpu.vector_load %arg5[%get3A_470, %get3A_471] {strides = array<i32>} : memref<26x128xi32, #tpu.memory_space<vmem>>, vector<1x16xi32>,
    %get3A_473 = vector.shape_cast %get3A_472 : vector<1x16xi32> to vector<16xi32>
    %add3A_474 = arith.constant 13000 : i32
    %add3A_475 = vector.broadcast %add3A_474 : i32 to vector<16xi32>
    %add3A_476 = arith.addi %get3A_473, %add3A_475 : vector<16xi32>
    %swap3A_477 = arith.constant 13 : i32
    %swap3A_478 = arith.index_cast %swap3A_477 : i32 to index
    %swap3A_479 = arith.index_cast %add3A_468 : i32 to index
    %swap3A_480 = tpu.vector_load %arg5[%swap3A_478, %swap3A_479] {strides = array<i32>} : memref<26x128xi32, #tpu.memory_space<vmem>>, vector<1x16xi32>,
    %swap3A_481 = vector.shape_cast %swap3A_480 : vector<1x16xi32> to vector<16xi32>
    %swap3A_482 = vector.shape_cast %add3A_476 : vector<16xi32> to vector<1x16xi32>
    tpu.vector_store %arg5[%swap3A_478, %swap3A_479], %swap3A_482 {strides = array<i32>} : memref<26x128xi32, #tpu.memory_space<vmem>>, vector<1x16xi32>,
    %add3A_483 = arith.constant 0 : i32
    %add3A_484 = arith.addi %mul3A_36, %add3A_483 : i32
    %get3A_485 = arith.constant 14 : i32
    %get3A_486 = arith.index_cast %get3A_485 : i32 to index
    %get3A_487 = arith.index_cast %add3A_484 : i32 to index
    %get3A_488 = tpu.vector_load %arg5[%get3A_486, %get3A_487] {strides = array<i32>} : memref<26x128xi32, #tpu.memory_space<vmem>>, vector<1x16xi32>,
    %get3A_489 = vector.shape_cast %get3A_488 : vector<1x16xi32> to vector<16xi32>
    %add3A_490 = arith.constant 14000 : i32
    %add3A_491 = vector.broadcast %add3A_490 : i32 to vector<16xi32>
    %add3A_492 = arith.addi %get3A_489, %add3A_491 : vector<16xi32>
    %swap3A_493 = arith.constant 14 : i32
    %swap3A_494 = arith.index_cast %swap3A_493 : i32 to index
    %swap3A_495 = arith.index_cast %add3A_484 : i32 to index
    %swap3A_496 = tpu.vector_load %arg5[%swap3A_494, %swap3A_495] {strides = array<i32>} : memref<26x128xi32, #tpu.memory_space<vmem>>, vector<1x16xi32>,
    %swap3A_497 = vector.shape_cast %swap3A_496 : vector<1x16xi32> to vector<16xi32>
    %swap3A_498 = vector.shape_cast %add3A_492 : vector<16xi32> to vector<1x16xi32>
    tpu.vector_store %arg5[%swap3A_494, %swap3A_495], %swap3A_498 {strides = array<i32>} : memref<26x128xi32, #tpu.memory_space<vmem>>, vector<1x16xi32>,
    %add3A_499 = arith.constant 16 : i32
    %add3A_500 = arith.addi %mul3A_36, %add3A_499 : i32
    %get3A_501 = arith.constant 14 : i32
    %get3A_502 = arith.index_cast %get3A_501 : i32 to index
    %get3A_503 = arith.index_cast %add3A_500 : i32 to index
    %get3A_504 = tpu.vector_load %arg5[%get3A_502, %get3A_503] {strides = array<i32>} : memref<26x128xi32, #tpu.memory_space<vmem>>, vector<1x16xi32>,
    %get3A_505 = vector.shape_cast %get3A_504 : vector<1x16xi32> to vector<16xi32>
    %add3A_506 = arith.constant 14000 : i32
    %add3A_507 = vector.broadcast %add3A_506 : i32 to vector<16xi32>
    %add3A_508 = arith.addi %get3A_505, %add3A_507 : vector<16xi32>
    %swap3A_509 = arith.constant 14 : i32
    %swap3A_510 = arith.index_cast %swap3A_509 : i32 to index
    %swap3A_511 = arith.index_cast %add3A_500 : i32 to index
    %swap3A_512 = tpu.vector_load %arg5[%swap3A_510, %swap3A_511] {strides = array<i32>} : memref<26x128xi32, #tpu.memory_space<vmem>>, vector<1x16xi32>,
    %swap3A_513 = vector.shape_cast %swap3A_512 : vector<1x16xi32> to vector<16xi32>
    %swap3A_514 = vector.shape_cast %add3A_508 : vector<16xi32> to vector<1x16xi32>
    tpu.vector_store %arg5[%swap3A_510, %swap3A_511], %swap3A_514 {strides = array<i32>} : memref<26x128xi32, #tpu.memory_space<vmem>>, vector<1x16xi32>,
    %add3A_515 = arith.constant 0 : i32
    %add3A_516 = arith.addi %mul3A_36, %add3A_515 : i32
    %get3A_517 = arith.constant 15 : i32
    %get3A_518 = arith.index_cast %get3A_517 : i32 to index
    %get3A_519 = arith.index_cast %add3A_516 : i32 to index
    %get3A_520 = tpu.vector_load %arg5[%get3A_518, %get3A_519] {strides = array<i32>} : memref<26x128xi32, #tpu.memory_space<vmem>>, vector<1x16xi32>,
    %get3A_521 = vector.shape_cast %get3A_520 : vector<1x16xi32> to vector<16xi32>
    %add3A_522 = arith.constant 15000 : i32
    %add3A_523 = vector.broadcast %add3A_522 : i32 to vector<16xi32>
    %add3A_524 = arith.addi %get3A_521, %add3A_523 : vector<16xi32>
    %swap3A_525 = arith.constant 15 : i32
    %swap3A_526 = arith.index_cast %swap3A_525 : i32 to index
    %swap3A_527 = arith.index_cast %add3A_516 : i32 to index
    %swap3A_528 = tpu.vector_load %arg5[%swap3A_526, %swap3A_527] {strides = array<i32>} : memref<26x128xi32, #tpu.memory_space<vmem>>, vector<1x16xi32>,
    %swap3A_529 = vector.shape_cast %swap3A_528 : vector<1x16xi32> to vector<16xi32>
    %swap3A_530 = vector.shape_cast %add3A_524 : vector<16xi32> to vector<1x16xi32>
    tpu.vector_store %arg5[%swap3A_526, %swap3A_527], %swap3A_530 {strides = array<i32>} : memref<26x128xi32, #tpu.memory_space<vmem>>, vector<1x16xi32>,
    %add3A_531 = arith.constant 16 : i32
    %add3A_532 = arith.addi %mul3A_36, %add3A_531 : i32
    %get3A_533 = arith.constant 15 : i32
    %get3A_534 = arith.index_cast %get3A_533 : i32 to index
    %get3A_535 = arith.index_cast %add3A_532 : i32 to index
    %get3A_536 = tpu.vector_load %arg5[%get3A_534, %get3A_535] {strides = array<i32>} : memref<26x128xi32, #tpu.memory_space<vmem>>, vector<1x16xi32>,
    %get3A_537 = vector.shape_cast %get3A_536 : vector<1x16xi32> to vector<16xi32>
    %add3A_538 = arith.constant 15000 : i32
    %add3A_539 = vector.broadcast %add3A_538 : i32 to vector<16xi32>
    %add3A_540 = arith.addi %get3A_537, %add3A_539 : vector<16xi32>
    %swap3A_541 = arith.constant 15 : i32
    %swap3A_542 = arith.index_cast %swap3A_541 : i32 to index
    %swap3A_543 = arith.index_cast %add3A_532 : i32 to index
    %swap3A_544 = tpu.vector_load %arg5[%swap3A_542, %swap3A_543] {strides = array<i32>} : memref<26x128xi32, #tpu.memory_space<vmem>>, vector<1x16xi32>,
    %swap3A_545 = vector.shape_cast %swap3A_544 : vector<1x16xi32> to vector<16xi32>
    %swap3A_546 = vector.shape_cast %add3A_540 : vector<16xi32> to vector<1x16xi32>
    tpu.vector_store %arg5[%swap3A_542, %swap3A_543], %swap3A_546 {strides = array<i32>} : memref<26x128xi32, #tpu.memory_space<vmem>>, vector<1x16xi32>,
    %add3A_547 = arith.constant 0 : i32
    %add3A_548 = arith.addi %mul3A_36, %add3A_547 : i32
    %get3A_549 = arith.constant 16 : i32
    %get3A_550 = arith.index_cast %get3A_549 : i32 to index
    %get3A_551 = arith.index_cast %add3A_548 : i32 to index
    %get3A_552 = tpu.vector_load %arg5[%get3A_550, %get3A_551] {strides = array<i32>} : memref<26x128xi32, #tpu.memory_space<vmem>>, vector<1x16xi32>,
    %get3A_553 = vector.shape_cast %get3A_552 : vector<1x16xi32> to vector<16xi32>
    %add3A_554 = arith.constant 16000 : i32
    %add3A_555 = vector.broadcast %add3A_554 : i32 to vector<16xi32>
    %add3A_556 = arith.addi %get3A_553, %add3A_555 : vector<16xi32>
    %swap3A_557 = arith.constant 16 : i32
    %swap3A_558 = arith.index_cast %swap3A_557 : i32 to index
    %swap3A_559 = arith.index_cast %add3A_548 : i32 to index
    %swap3A_560 = tpu.vector_load %arg5[%swap3A_558, %swap3A_559] {strides = array<i32>} : memref<26x128xi32, #tpu.memory_space<vmem>>, vector<1x16xi32>,
    %swap3A_561 = vector.shape_cast %swap3A_560 : vector<1x16xi32> to vector<16xi32>
    %swap3A_562 = vector.shape_cast %add3A_556 : vector<16xi32> to vector<1x16xi32>
    tpu.vector_store %arg5[%swap3A_558, %swap3A_559], %swap3A_562 {strides = array<i32>} : memref<26x128xi32, #tpu.memory_space<vmem>>, vector<1x16xi32>,
    %add3A_563 = arith.constant 16 : i32
    %add3A_564 = arith.addi %mul3A_36, %add3A_563 : i32
    %get3A_565 = arith.constant 16 : i32
    %get3A_566 = arith.index_cast %get3A_565 : i32 to index
    %get3A_567 = arith.index_cast %add3A_564 : i32 to index
    %get3A_568 = tpu.vector_load %arg5[%get3A_566, %get3A_567] {strides = array<i32>} : memref<26x128xi32, #tpu.memory_space<vmem>>, vector<1x16xi32>,
    %get3A_569 = vector.shape_cast %get3A_568 : vector<1x16xi32> to vector<16xi32>
    %add3A_570 = arith.constant 16000 : i32
    %add3A_571 = vector.broadcast %add3A_570 : i32 to vector<16xi32>
    %add3A_572 = arith.addi %get3A_569, %add3A_571 : vector<16xi32>
    %swap3A_573 = arith.constant 16 : i32
    %swap3A_574 = arith.index_cast %swap3A_573 : i32 to index
    %swap3A_575 = arith.index_cast %add3A_564 : i32 to index
    %swap3A_576 = tpu.vector_load %arg5[%swap3A_574, %swap3A_575] {strides = array<i32>} : memref<26x128xi32, #tpu.memory_space<vmem>>, vector<1x16xi32>,
    %swap3A_577 = vector.shape_cast %swap3A_576 : vector<1x16xi32> to vector<16xi32>
    %swap3A_578 = vector.shape_cast %add3A_572 : vector<16xi32> to vector<1x16xi32>
    tpu.vector_store %arg5[%swap3A_574, %swap3A_575], %swap3A_578 {strides = array<i32>} : memref<26x128xi32, #tpu.memory_space<vmem>>, vector<1x16xi32>,
    %add3A_579 = arith.constant 0 : i32
    %add3A_580 = arith.addi %mul3A_36, %add3A_579 : i32
    %get3A_581 = arith.constant 17 : i32
    %get3A_582 = arith.index_cast %get3A_581 : i32 to index
    %get3A_583 = arith.index_cast %add3A_580 : i32 to index
    %get3A_584 = tpu.vector_load %arg5[%get3A_582, %get3A_583] {strides = array<i32>} : memref<26x128xi32, #tpu.memory_space<vmem>>, vector<1x16xi32>,
    %get3A_585 = vector.shape_cast %get3A_584 : vector<1x16xi32> to vector<16xi32>
    %add3A_586 = arith.constant 17000 : i32
    %add3A_587 = vector.broadcast %add3A_586 : i32 to vector<16xi32>
    %add3A_588 = arith.addi %get3A_585, %add3A_587 : vector<16xi32>
    %swap3A_589 = arith.constant 17 : i32
    %swap3A_590 = arith.index_cast %swap3A_589 : i32 to index
    %swap3A_591 = arith.index_cast %add3A_580 : i32 to index
    %swap3A_592 = tpu.vector_load %arg5[%swap3A_590, %swap3A_591] {strides = array<i32>} : memref<26x128xi32, #tpu.memory_space<vmem>>, vector<1x16xi32>,
    %swap3A_593 = vector.shape_cast %swap3A_592 : vector<1x16xi32> to vector<16xi32>
    %swap3A_594 = vector.shape_cast %add3A_588 : vector<16xi32> to vector<1x16xi32>
    tpu.vector_store %arg5[%swap3A_590, %swap3A_591], %swap3A_594 {strides = array<i32>} : memref<26x128xi32, #tpu.memory_space<vmem>>, vector<1x16xi32>,
    %add3A_595 = arith.constant 16 : i32
    %add3A_596 = arith.addi %mul3A_36, %add3A_595 : i32
    %get3A_597 = arith.constant 17 : i32
    %get3A_598 = arith.index_cast %get3A_597 : i32 to index
    %get3A_599 = arith.index_cast %add3A_596 : i32 to index
    %get3A_600 = tpu.vector_load %arg5[%get3A_598, %get3A_599] {strides = array<i32>} : memref<26x128xi32, #tpu.memory_space<vmem>>, vector<1x16xi32>,
    %get3A_601 = vector.shape_cast %get3A_600 : vector<1x16xi32> to vector<16xi32>
    %add3A_602 = arith.constant 17000 : i32
    %add3A_603 = vector.broadcast %add3A_602 : i32 to vector<16xi32>
    %add3A_604 = arith.addi %get3A_601, %add3A_603 : vector<16xi32>
    %swap3A_605 = arith.constant 17 : i32
    %swap3A_606 = arith.index_cast %swap3A_605 : i32 to index
    %swap3A_607 = arith.index_cast %add3A_596 : i32 to index
    %swap3A_608 = tpu.vector_load %arg5[%swap3A_606, %swap3A_607] {strides = array<i32>} : memref<26x128xi32, #tpu.memory_space<vmem>>, vector<1x16xi32>,
    %swap3A_609 = vector.shape_cast %swap3A_608 : vector<1x16xi32> to vector<16xi32>
    %swap3A_610 = vector.shape_cast %add3A_604 : vector<16xi32> to vector<1x16xi32>
    tpu.vector_store %arg5[%swap3A_606, %swap3A_607], %swap3A_610 {strides = array<i32>} : memref<26x128xi32, #tpu.memory_space<vmem>>, vector<1x16xi32>,
    %add3A_611 = arith.constant 0 : i32
    %add3A_612 = arith.addi %mul3A_36, %add3A_611 : i32
    %get3A_613 = arith.constant 18 : i32
    %get3A_614 = arith.index_cast %get3A_613 : i32 to index
    %get3A_615 = arith.index_cast %add3A_612 : i32 to index
    %get3A_616 = tpu.vector_load %arg5[%get3A_614, %get3A_615] {strides = array<i32>} : memref<26x128xi32, #tpu.memory_space<vmem>>, vector<1x16xi32>,
    %get3A_617 = vector.shape_cast %get3A_616 : vector<1x16xi32> to vector<16xi32>
    %add3A_618 = arith.constant 18000 : i32
    %add3A_619 = vector.broadcast %add3A_618 : i32 to vector<16xi32>
    %add3A_620 = arith.addi %get3A_617, %add3A_619 : vector<16xi32>
    %swap3A_621 = arith.constant 18 : i32
    %swap3A_622 = arith.index_cast %swap3A_621 : i32 to index
    %swap3A_623 = arith.index_cast %add3A_612 : i32 to index
    %swap3A_624 = tpu.vector_load %arg5[%swap3A_622, %swap3A_623] {strides = array<i32>} : memref<26x128xi32, #tpu.memory_space<vmem>>, vector<1x16xi32>,
    %swap3A_625 = vector.shape_cast %swap3A_624 : vector<1x16xi32> to vector<16xi32>
    %swap3A_626 = vector.shape_cast %add3A_620 : vector<16xi32> to vector<1x16xi32>
    tpu.vector_store %arg5[%swap3A_622, %swap3A_623], %swap3A_626 {strides = array<i32>} : memref<26x128xi32, #tpu.memory_space<vmem>>, vector<1x16xi32>,
    %add3A_627 = arith.constant 16 : i32
    %add3A_628 = arith.addi %mul3A_36, %add3A_627 : i32
    %get3A_629 = arith.constant 18 : i32
    %get3A_630 = arith.index_cast %get3A_629 : i32 to index
    %get3A_631 = arith.index_cast %add3A_628 : i32 to index
    %get3A_632 = tpu.vector_load %arg5[%get3A_630, %get3A_631] {strides = array<i32>} : memref<26x128xi32, #tpu.memory_space<vmem>>, vector<1x16xi32>,
    %get3A_633 = vector.shape_cast %get3A_632 : vector<1x16xi32> to vector<16xi32>
    %add3A_634 = arith.constant 18000 : i32
    %add3A_635 = vector.broadcast %add3A_634 : i32 to vector<16xi32>
    %add3A_636 = arith.addi %get3A_633, %add3A_635 : vector<16xi32>
    %swap3A_637 = arith.constant 18 : i32
    %swap3A_638 = arith.index_cast %swap3A_637 : i32 to index
    %swap3A_639 = arith.index_cast %add3A_628 : i32 to index
    %swap3A_640 = tpu.vector_load %arg5[%swap3A_638, %swap3A_639] {strides = array<i32>} : memref<26x128xi32, #tpu.memory_space<vmem>>, vector<1x16xi32>,
    %swap3A_641 = vector.shape_cast %swap3A_640 : vector<1x16xi32> to vector<16xi32>
    %swap3A_642 = vector.shape_cast %add3A_636 : vector<16xi32> to vector<1x16xi32>
    tpu.vector_store %arg5[%swap3A_638, %swap3A_639], %swap3A_642 {strides = array<i32>} : memref<26x128xi32, #tpu.memory_space<vmem>>, vector<1x16xi32>,
    %add3A_643 = arith.constant 0 : i32
    %add3A_644 = arith.addi %mul3A_36, %add3A_643 : i32
    %get3A_645 = arith.constant 19 : i32
    %get3A_646 = arith.index_cast %get3A_645 : i32 to index
    %get3A_647 = arith.index_cast %add3A_644 : i32 to index
    %get3A_648 = tpu.vector_load %arg5[%get3A_646, %get3A_647] {strides = array<i32>} : memref<26x128xi32, #tpu.memory_space<vmem>>, vector<1x16xi32>,
    %get3A_649 = vector.shape_cast %get3A_648 : vector<1x16xi32> to vector<16xi32>
    %add3A_650 = arith.constant 19000 : i32
    %add3A_651 = vector.broadcast %add3A_650 : i32 to vector<16xi32>
    %add3A_652 = arith.addi %get3A_649, %add3A_651 : vector<16xi32>
    %swap3A_653 = arith.constant 19 : i32
    %swap3A_654 = arith.index_cast %swap3A_653 : i32 to index
    %swap3A_655 = arith.index_cast %add3A_644 : i32 to index
    %swap3A_656 = tpu.vector_load %arg5[%swap3A_654, %swap3A_655] {strides = array<i32>} : memref<26x128xi32, #tpu.memory_space<vmem>>, vector<1x16xi32>,
    %swap3A_657 = vector.shape_cast %swap3A_656 : vector<1x16xi32> to vector<16xi32>
    %swap3A_658 = vector.shape_cast %add3A_652 : vector<16xi32> to vector<1x16xi32>
    tpu.vector_store %arg5[%swap3A_654, %swap3A_655], %swap3A_658 {strides = array<i32>} : memref<26x128xi32, #tpu.memory_space<vmem>>, vector<1x16xi32>,
    %add3A_659 = arith.constant 16 : i32
    %add3A_660 = arith.addi %mul3A_36, %add3A_659 : i32
    %get3A_661 = arith.constant 19 : i32
    %get3A_662 = arith.index_cast %get3A_661 : i32 to index
    %get3A_663 = arith.index_cast %add3A_660 : i32 to index
    %get3A_664 = tpu.vector_load %arg5[%get3A_662, %get3A_663] {strides = array<i32>} : memref<26x128xi32, #tpu.memory_space<vmem>>, vector<1x16xi32>,
    %get3A_665 = vector.shape_cast %get3A_664 : vector<1x16xi32> to vector<16xi32>
    %add3A_666 = arith.constant 19000 : i32
    %add3A_667 = vector.broadcast %add3A_666 : i32 to vector<16xi32>
    %add3A_668 = arith.addi %get3A_665, %add3A_667 : vector<16xi32>
    %swap3A_669 = arith.constant 19 : i32
    %swap3A_670 = arith.index_cast %swap3A_669 : i32 to index
    %swap3A_671 = arith.index_cast %add3A_660 : i32 to index
    %swap3A_672 = tpu.vector_load %arg5[%swap3A_670, %swap3A_671] {strides = array<i32>} : memref<26x128xi32, #tpu.memory_space<vmem>>, vector<1x16xi32>,
    %swap3A_673 = vector.shape_cast %swap3A_672 : vector<1x16xi32> to vector<16xi32>
    %swap3A_674 = vector.shape_cast %add3A_668 : vector<16xi32> to vector<1x16xi32>
    tpu.vector_store %arg5[%swap3A_670, %swap3A_671], %swap3A_674 {strides = array<i32>} : memref<26x128xi32, #tpu.memory_space<vmem>>, vector<1x16xi32>,
    %add3A_675 = arith.constant 0 : i32
    %add3A_676 = arith.addi %mul3A_36, %add3A_675 : i32
    %get3A_677 = arith.constant 20 : i32
    %get3A_678 = arith.index_cast %get3A_677 : i32 to index
    %get3A_679 = arith.index_cast %add3A_676 : i32 to index
    %get3A_680 = tpu.vector_load %arg5[%get3A_678, %get3A_679] {strides = array<i32>} : memref<26x128xi32, #tpu.memory_space<vmem>>, vector<1x16xi32>,
    %get3A_681 = vector.shape_cast %get3A_680 : vector<1x16xi32> to vector<16xi32>
    %add3A_682 = arith.constant 20000 : i32
    %add3A_683 = vector.broadcast %add3A_682 : i32 to vector<16xi32>
    %add3A_684 = arith.addi %get3A_681, %add3A_683 : vector<16xi32>
    %swap3A_685 = arith.constant 20 : i32
    %swap3A_686 = arith.index_cast %swap3A_685 : i32 to index
    %swap3A_687 = arith.index_cast %add3A_676 : i32 to index
    %swap3A_688 = tpu.vector_load %arg5[%swap3A_686, %swap3A_687] {strides = array<i32>} : memref<26x128xi32, #tpu.memory_space<vmem>>, vector<1x16xi32>,
    %swap3A_689 = vector.shape_cast %swap3A_688 : vector<1x16xi32> to vector<16xi32>
    %swap3A_690 = vector.shape_cast %add3A_684 : vector<16xi32> to vector<1x16xi32>
    tpu.vector_store %arg5[%swap3A_686, %swap3A_687], %swap3A_690 {strides = array<i32>} : memref<26x128xi32, #tpu.memory_space<vmem>>, vector<1x16xi32>,
    %add3A_691 = arith.constant 16 : i32
    %add3A_692 = arith.addi %mul3A_36, %add3A_691 : i32
    %get3A_693 = arith.constant 20 : i32
    %get3A_694 = arith.index_cast %get3A_693 : i32 to index
    %get3A_695 = arith.index_cast %add3A_692 : i32 to index
    %get3A_696 = tpu.vector_load %arg5[%get3A_694, %get3A_695] {strides = array<i32>} : memref<26x128xi32, #tpu.memory_space<vmem>>, vector<1x16xi32>,
    %get3A_697 = vector.shape_cast %get3A_696 : vector<1x16xi32> to vector<16xi32>
    %add3A_698 = arith.constant 20000 : i32
    %add3A_699 = vector.broadcast %add3A_698 : i32 to vector<16xi32>
    %add3A_700 = arith.addi %get3A_697, %add3A_699 : vector<16xi32>
    %swap3A_701 = arith.constant 20 : i32
    %swap3A_702 = arith.index_cast %swap3A_701 : i32 to index
    %swap3A_703 = arith.index_cast %add3A_692 : i32 to index
    %swap3A_704 = tpu.vector_load %arg5[%swap3A_702, %swap3A_703] {strides = array<i32>} : memref<26x128xi32, #tpu.memory_space<vmem>>, vector<1x16xi32>,
    %swap3A_705 = vector.shape_cast %swap3A_704 : vector<1x16xi32> to vector<16xi32>
    %swap3A_706 = vector.shape_cast %add3A_700 : vector<16xi32> to vector<1x16xi32>
    tpu.vector_store %arg5[%swap3A_702, %swap3A_703], %swap3A_706 {strides = array<i32>} : memref<26x128xi32, #tpu.memory_space<vmem>>, vector<1x16xi32>,
    %add3A_707 = arith.constant 0 : i32
    %add3A_708 = arith.addi %mul3A_36, %add3A_707 : i32
    %get3A_709 = arith.constant 21 : i32
    %get3A_710 = arith.index_cast %get3A_709 : i32 to index
    %get3A_711 = arith.index_cast %add3A_708 : i32 to index
    %get3A_712 = tpu.vector_load %arg5[%get3A_710, %get3A_711] {strides = array<i32>} : memref<26x128xi32, #tpu.memory_space<vmem>>, vector<1x16xi32>,
    %get3A_713 = vector.shape_cast %get3A_712 : vector<1x16xi32> to vector<16xi32>
    %add3A_714 = arith.constant 21000 : i32
    %add3A_715 = vector.broadcast %add3A_714 : i32 to vector<16xi32>
    %add3A_716 = arith.addi %get3A_713, %add3A_715 : vector<16xi32>
    %swap3A_717 = arith.constant 21 : i32
    %swap3A_718 = arith.index_cast %swap3A_717 : i32 to index
    %swap3A_719 = arith.index_cast %add3A_708 : i32 to index
    %swap3A_720 = tpu.vector_load %arg5[%swap3A_718, %swap3A_719] {strides = array<i32>} : memref<26x128xi32, #tpu.memory_space<vmem>>, vector<1x16xi32>,
    %swap3A_721 = vector.shape_cast %swap3A_720 : vector<1x16xi32> to vector<16xi32>
    %swap3A_722 = vector.shape_cast %add3A_716 : vector<16xi32> to vector<1x16xi32>
    tpu.vector_store %arg5[%swap3A_718, %swap3A_719], %swap3A_722 {strides = array<i32>} : memref<26x128xi32, #tpu.memory_space<vmem>>, vector<1x16xi32>,
    %add3A_723 = arith.constant 16 : i32
    %add3A_724 = arith.addi %mul3A_36, %add3A_723 : i32
    %get3A_725 = arith.constant 21 : i32
    %get3A_726 = arith.index_cast %get3A_725 : i32 to index
    %get3A_727 = arith.index_cast %add3A_724 : i32 to index
    %get3A_728 = tpu.vector_load %arg5[%get3A_726, %get3A_727] {strides = array<i32>} : memref<26x128xi32, #tpu.memory_space<vmem>>, vector<1x16xi32>,
    %get3A_729 = vector.shape_cast %get3A_728 : vector<1x16xi32> to vector<16xi32>
    %add3A_730 = arith.constant 21000 : i32
    %add3A_731 = vector.broadcast %add3A_730 : i32 to vector<16xi32>
    %add3A_732 = arith.addi %get3A_729, %add3A_731 : vector<16xi32>
    %swap3A_733 = arith.constant 21 : i32
    %swap3A_734 = arith.index_cast %swap3A_733 : i32 to index
    %swap3A_735 = arith.index_cast %add3A_724 : i32 to index
    %swap3A_736 = tpu.vector_load %arg5[%swap3A_734, %swap3A_735] {strides = array<i32>} : memref<26x128xi32, #tpu.memory_space<vmem>>, vector<1x16xi32>,
    %swap3A_737 = vector.shape_cast %swap3A_736 : vector<1x16xi32> to vector<16xi32>
    %swap3A_738 = vector.shape_cast %add3A_732 : vector<16xi32> to vector<1x16xi32>
    tpu.vector_store %arg5[%swap3A_734, %swap3A_735], %swap3A_738 {strides = array<i32>} : memref<26x128xi32, #tpu.memory_space<vmem>>, vector<1x16xi32>,
    %add3A_739 = arith.constant 0 : i32
    %add3A_740 = arith.addi %mul3A_36, %add3A_739 : i32
    %get3A_741 = arith.constant 22 : i32
    %get3A_742 = arith.index_cast %get3A_741 : i32 to index
    %get3A_743 = arith.index_cast %add3A_740 : i32 to index
    %get3A_744 = tpu.vector_load %arg5[%get3A_742, %get3A_743] {strides = array<i32>} : memref<26x128xi32, #tpu.memory_space<vmem>>, vector<1x16xi32>,
    %get3A_745 = vector.shape_cast %get3A_744 : vector<1x16xi32> to vector<16xi32>
    %add3A_746 = arith.constant 22000 : i32
    %add3A_747 = vector.broadcast %add3A_746 : i32 to vector<16xi32>
    %add3A_748 = arith.addi %get3A_745, %add3A_747 : vector<16xi32>
    %swap3A_749 = arith.constant 22 : i32
    %swap3A_750 = arith.index_cast %swap3A_749 : i32 to index
    %swap3A_751 = arith.index_cast %add3A_740 : i32 to index
    %swap3A_752 = tpu.vector_load %arg5[%swap3A_750, %swap3A_751] {strides = array<i32>} : memref<26x128xi32, #tpu.memory_space<vmem>>, vector<1x16xi32>,
    %swap3A_753 = vector.shape_cast %swap3A_752 : vector<1x16xi32> to vector<16xi32>
    %swap3A_754 = vector.shape_cast %add3A_748 : vector<16xi32> to vector<1x16xi32>
    tpu.vector_store %arg5[%swap3A_750, %swap3A_751], %swap3A_754 {strides = array<i32>} : memref<26x128xi32, #tpu.memory_space<vmem>>, vector<1x16xi32>,
    %add3A_755 = arith.constant 16 : i32
    %add3A_756 = arith.addi %mul3A_36, %add3A_755 : i32
    %get3A_757 = arith.constant 22 : i32
    %get3A_758 = arith.index_cast %get3A_757 : i32 to index
    %get3A_759 = arith.index_cast %add3A_756 : i32 to index
    %get3A_760 = tpu.vector_load %arg5[%get3A_758, %get3A_759] {strides = array<i32>} : memref<26x128xi32, #tpu.memory_space<vmem>>, vector<1x16xi32>,
    %get3A_761 = vector.shape_cast %get3A_760 : vector<1x16xi32> to vector<16xi32>
    %add3A_762 = arith.constant 22000 : i32
    %add3A_763 = vector.broadcast %add3A_762 : i32 to vector<16xi32>
    %add3A_764 = arith.addi %get3A_761, %add3A_763 : vector<16xi32>
    %swap3A_765 = arith.constant 22 : i32
    %swap3A_766 = arith.index_cast %swap3A_765 : i32 to index
    %swap3A_767 = arith.index_cast %add3A_756 : i32 to index
    %swap3A_768 = tpu.vector_load %arg5[%swap3A_766, %swap3A_767] {strides = array<i32>} : memref<26x128xi32, #tpu.memory_space<vmem>>, vector<1x16xi32>,
    %swap3A_769 = vector.shape_cast %swap3A_768 : vector<1x16xi32> to vector<16xi32>
    %swap3A_770 = vector.shape_cast %add3A_764 : vector<16xi32> to vector<1x16xi32>
    tpu.vector_store %arg5[%swap3A_766, %swap3A_767], %swap3A_770 {strides = array<i32>} : memref<26x128xi32, #tpu.memory_space<vmem>>, vector<1x16xi32>,
    %add3A_771 = arith.constant 0 : i32
    %add3A_772 = arith.addi %mul3A_36, %add3A_771 : i32
    %get3A_773 = arith.constant 23 : i32
    %get3A_774 = arith.index_cast %get3A_773 : i32 to index
    %get3A_775 = arith.index_cast %add3A_772 : i32 to index
    %get3A_776 = tpu.vector_load %arg5[%get3A_774, %get3A_775] {strides = array<i32>} : memref<26x128xi32, #tpu.memory_space<vmem>>, vector<1x16xi32>,
    %get3A_777 = vector.shape_cast %get3A_776 : vector<1x16xi32> to vector<16xi32>
    %add3A_778 = arith.constant 23000 : i32
    %add3A_779 = vector.broadcast %add3A_778 : i32 to vector<16xi32>
    %add3A_780 = arith.addi %get3A_777, %add3A_779 : vector<16xi32>
    %swap3A_781 = arith.constant 23 : i32
    %swap3A_782 = arith.index_cast %swap3A_781 : i32 to index
    %swap3A_783 = arith.index_cast %add3A_772 : i32 to index
    %swap3A_784 = tpu.vector_load %arg5[%swap3A_782, %swap3A_783] {strides = array<i32>} : memref<26x128xi32, #tpu.memory_space<vmem>>, vector<1x16xi32>,
    %swap3A_785 = vector.shape_cast %swap3A_784 : vector<1x16xi32> to vector<16xi32>
    %swap3A_786 = vector.shape_cast %add3A_780 : vector<16xi32> to vector<1x16xi32>
    tpu.vector_store %arg5[%swap3A_782, %swap3A_783], %swap3A_786 {strides = array<i32>} : memref<26x128xi32, #tpu.memory_space<vmem>>, vector<1x16xi32>,
    %add3A_787 = arith.constant 16 : i32
    %add3A_788 = arith.addi %mul3A_36, %add3A_787 : i32
    %get3A_789 = arith.constant 23 : i32
    %get3A_790 = arith.index_cast %get3A_789 : i32 to index
    %get3A_791 = arith.index_cast %add3A_788 : i32 to index
    %get3A_792 = tpu.vector_load %arg5[%get3A_790, %get3A_791] {strides = array<i32>} : memref<26x128xi32, #tpu.memory_space<vmem>>, vector<1x16xi32>,
    %get3A_793 = vector.shape_cast %get3A_792 : vector<1x16xi32> to vector<16xi32>
    %add3A_794 = arith.constant 23000 : i32
    %add3A_795 = vector.broadcast %add3A_794 : i32 to vector<16xi32>
    %add3A_796 = arith.addi %get3A_793, %add3A_795 : vector<16xi32>
    %swap3A_797 = arith.constant 23 : i32
    %swap3A_798 = arith.index_cast %swap3A_797 : i32 to index
    %swap3A_799 = arith.index_cast %add3A_788 : i32 to index
    %swap3A_800 = tpu.vector_load %arg5[%swap3A_798, %swap3A_799] {strides = array<i32>} : memref<26x128xi32, #tpu.memory_space<vmem>>, vector<1x16xi32>,
    %swap3A_801 = vector.shape_cast %swap3A_800 : vector<1x16xi32> to vector<16xi32>
    %swap3A_802 = vector.shape_cast %add3A_796 : vector<16xi32> to vector<1x16xi32>
    tpu.vector_store %arg5[%swap3A_798, %swap3A_799], %swap3A_802 {strides = array<i32>} : memref<26x128xi32, #tpu.memory_space<vmem>>, vector<1x16xi32>,
    %add3A_803 = arith.constant 0 : i32
    %add3A_804 = arith.addi %mul3A_36, %add3A_803 : i32
    %get3A_805 = arith.constant 24 : i32
    %get3A_806 = arith.index_cast %get3A_805 : i32 to index
    %get3A_807 = arith.index_cast %add3A_804 : i32 to index
    %get3A_808 = tpu.vector_load %arg5[%get3A_806, %get3A_807] {strides = array<i32>} : memref<26x128xi32, #tpu.memory_space<vmem>>, vector<1x16xi32>,
    %get3A_809 = vector.shape_cast %get3A_808 : vector<1x16xi32> to vector<16xi32>
    %add3A_810 = arith.constant 24000 : i32
    %add3A_811 = vector.broadcast %add3A_810 : i32 to vector<16xi32>
    %add3A_812 = arith.addi %get3A_809, %add3A_811 : vector<16xi32>
    %swap3A_813 = arith.constant 24 : i32
    %swap3A_814 = arith.index_cast %swap3A_813 : i32 to index
    %swap3A_815 = arith.index_cast %add3A_804 : i32 to index
    %swap3A_816 = tpu.vector_load %arg5[%swap3A_814, %swap3A_815] {strides = array<i32>} : memref<26x128xi32, #tpu.memory_space<vmem>>, vector<1x16xi32>,
    %swap3A_817 = vector.shape_cast %swap3A_816 : vector<1x16xi32> to vector<16xi32>
    %swap3A_818 = vector.shape_cast %add3A_812 : vector<16xi32> to vector<1x16xi32>
    tpu.vector_store %arg5[%swap3A_814, %swap3A_815], %swap3A_818 {strides = array<i32>} : memref<26x128xi32, #tpu.memory_space<vmem>>, vector<1x16xi32>,
    %add3A_819 = arith.constant 16 : i32
    %add3A_820 = arith.addi %mul3A_36, %add3A_819 : i32
    %get3A_821 = arith.constant 24 : i32
    %get3A_822 = arith.index_cast %get3A_821 : i32 to index
    %get3A_823 = arith.index_cast %add3A_820 : i32 to index
    %get3A_824 = tpu.vector_load %arg5[%get3A_822, %get3A_823] {strides = array<i32>} : memref<26x128xi32, #tpu.memory_space<vmem>>, vector<1x16xi32>,
    %get3A_825 = vector.shape_cast %get3A_824 : vector<1x16xi32> to vector<16xi32>
    %add3A_826 = arith.constant 24000 : i32
    %add3A_827 = vector.broadcast %add3A_826 : i32 to vector<16xi32>
    %add3A_828 = arith.addi %get3A_825, %add3A_827 : vector<16xi32>
    %swap3A_829 = arith.constant 24 : i32
    %swap3A_830 = arith.index_cast %swap3A_829 : i32 to index
    %swap3A_831 = arith.index_cast %add3A_820 : i32 to index
    %swap3A_832 = tpu.vector_load %arg5[%swap3A_830, %swap3A_831] {strides = array<i32>} : memref<26x128xi32, #tpu.memory_space<vmem>>, vector<1x16xi32>,
    %swap3A_833 = vector.shape_cast %swap3A_832 : vector<1x16xi32> to vector<16xi32>
    %swap3A_834 = vector.shape_cast %add3A_828 : vector<16xi32> to vector<1x16xi32>
    tpu.vector_store %arg5[%swap3A_830, %swap3A_831], %swap3A_834 {strides = array<i32>} : memref<26x128xi32, #tpu.memory_space<vmem>>, vector<1x16xi32>,
    %add3A_835 = arith.constant 0 : i32
    %add3A_836 = arith.addi %mul3A_36, %add3A_835 : i32
    %get3A_837 = arith.constant 25 : i32
    %get3A_838 = arith.index_cast %get3A_837 : i32 to index
    %get3A_839 = arith.index_cast %add3A_836 : i32 to index
    %get3A_840 = tpu.vector_load %arg5[%get3A_838, %get3A_839] {strides = array<i32>} : memref<26x128xi32, #tpu.memory_space<vmem>>, vector<1x16xi32>,
    %get3A_841 = vector.shape_cast %get3A_840 : vector<1x16xi32> to vector<16xi32>
    %add3A_842 = arith.constant 25000 : i32
    %add3A_843 = vector.broadcast %add3A_842 : i32 to vector<16xi32>
    %add3A_844 = arith.addi %get3A_841, %add3A_843 : vector<16xi32>
    %swap3A_845 = arith.constant 25 : i32
    %swap3A_846 = arith.index_cast %swap3A_845 : i32 to index
    %swap3A_847 = arith.index_cast %add3A_836 : i32 to index
    %swap3A_848 = tpu.vector_load %arg5[%swap3A_846, %swap3A_847] {strides = array<i32>} : memref<26x128xi32, #tpu.memory_space<vmem>>, vector<1x16xi32>,
    %swap3A_849 = vector.shape_cast %swap3A_848 : vector<1x16xi32> to vector<16xi32>
    %swap3A_850 = vector.shape_cast %add3A_844 : vector<16xi32> to vector<1x16xi32>
    tpu.vector_store %arg5[%swap3A_846, %swap3A_847], %swap3A_850 {strides = array<i32>} : memref<26x128xi32, #tpu.memory_space<vmem>>, vector<1x16xi32>,
    %add3A_851 = arith.constant 16 : i32
    %add3A_852 = arith.addi %mul3A_36, %add3A_851 : i32
    %get3A_853 = arith.constant 25 : i32
    %get3A_854 = arith.index_cast %get3A_853 : i32 to index
    %get3A_855 = arith.index_cast %add3A_852 : i32 to index
    %get3A_856 = tpu.vector_load %arg5[%get3A_854, %get3A_855] {strides = array<i32>} : memref<26x128xi32, #tpu.memory_space<vmem>>, vector<1x16xi32>,
    %get3A_857 = vector.shape_cast %get3A_856 : vector<1x16xi32> to vector<16xi32>
    %add3A_858 = arith.constant 25000 : i32
    %add3A_859 = vector.broadcast %add3A_858 : i32 to vector<16xi32>
    %add3A_860 = arith.addi %get3A_857, %add3A_859 : vector<16xi32>
    %swap3A_861 = arith.constant 25 : i32
    %swap3A_862 = arith.index_cast %swap3A_861 : i32 to index
    %swap3A_863 = arith.index_cast %add3A_852 : i32 to index
    %swap3A_864 = tpu.vector_load %arg5[%swap3A_862, %swap3A_863] {strides = array<i32>} : memref<26x128xi32, #tpu.memory_space<vmem>>, vector<1x16xi32>,
    %swap3A_865 = vector.shape_cast %swap3A_864 : vector<1x16xi32> to vector<16xi32>
    %swap3A_866 = vector.shape_cast %add3A_860 : vector<16xi32> to vector<1x16xi32>
    tpu.vector_store %arg5[%swap3A_862, %swap3A_863], %swap3A_866 {strides = array<i32>} : memref<26x128xi32, #tpu.memory_space<vmem>>, vector<1x16xi32>,
    %add3A_867 = arith.constant 0 : i32
    %add3A_868 = arith.addi %mul3A_36, %add3A_867 : i32
    %dma_start3A = arith.constant 0 : i32
    %dma_start3A_869 = tpu.memref_slice %arg5[%dma_start3A, %add3A_868] : memref<26x128xi32, #tpu.memory_space<vmem>> -> memref<1x16xi32, #tpu.memory_space<vmem>>
    %dma_start3A_870 = tpu.memref_squeeze %dma_start3A_869 : memref<1x16xi32, #tpu.memory_space<vmem>> -> memref<16xi32, #tpu.memory_space<vmem>>
    %dma_start3A_871 = arith.constant 0 : i32
    %dma_start3A_872 = arith.constant 0 : i32
    %dma_start3A_873 = tpu.memref_slice %arg2[%dma_start3A_871, %dma_start3A_872] : memref<26000x1024xf32, #tpu.memory_space<hbm>> -> memref<26000x1024xf32, #tpu.memory_space<hbm>>
    tpu.enqueue_indirect_dma source(%dma_start3A_873 : memref<26000x1024xf32, #tpu.memory_space<hbm>>) target(%arg6 : memref<16x1024xf32, #tpu.memory_space<vmem>>) offsets(%dma_start3A_870 : memref<16xi32, #tpu.memory_space<vmem>>) semaphore(%arg12 : memref<!tpu.dma_semaphore, #tpu.memory_space<semaphore_mem>>)
    %add3A_874 = arith.constant 16 : i32
    %add3A_875 = arith.addi %mul3A_36, %add3A_874 : i32
    %dma_start3A_876 = arith.constant 0 : i32
    %dma_start3A_877 = tpu.memref_slice %arg5[%dma_start3A_876, %add3A_875] : memref<26x128xi32, #tpu.memory_space<vmem>> -> memref<1x16xi32, #tpu.memory_space<vmem>>
    %dma_start3A_878 = tpu.memref_squeeze %dma_start3A_877 : memref<1x16xi32, #tpu.memory_space<vmem>> -> memref<16xi32, #tpu.memory_space<vmem>>
    %dma_start3A_879 = arith.constant 0 : i32
    %dma_start3A_880 = arith.constant 0 : i32
    %dma_start3A_881 = tpu.memref_slice %arg2[%dma_start3A_879, %dma_start3A_880] : memref<26000x1024xf32, #tpu.memory_space<hbm>> -> memref<26000x1024xf32, #tpu.memory_space<hbm>>
    tpu.enqueue_indirect_dma source(%dma_start3A_881 : memref<26000x1024xf32, #tpu.memory_space<hbm>>) target(%arg7 : memref<16x1024xf32, #tpu.memory_space<vmem>>) offsets(%dma_start3A_878 : memref<16xi32, #tpu.memory_space<vmem>>) semaphore(%arg13 : memref<!tpu.dma_semaphore, #tpu.memory_space<semaphore_mem>>)
    %add3A_882 = arith.constant 0 : i32
    %add3A_883 = arith.addi %mul3A_36, %add3A_882 : i32
    %dma_start3A_884 = arith.constant 1 : i32
    %dma_start3A_885 = tpu.memref_slice %arg5[%dma_start3A_884, %add3A_883] : memref<26x128xi32, #tpu.memory_space<vmem>> -> memref<1x16xi32, #tpu.memory_space<vmem>>
    %dma_start3A_886 = tpu.memref_squeeze %dma_start3A_885 : memref<1x16xi32, #tpu.memory_space<vmem>> -> memref<16xi32, #tpu.memory_space<vmem>>
    %dma_start3A_887 = arith.constant 0 : i32
    %dma_start3A_888 = arith.constant 0 : i32
    %dma_start3A_889 = tpu.memref_slice %arg2[%dma_start3A_887, %dma_start3A_888] : memref<26000x1024xf32, #tpu.memory_space<hbm>> -> memref<26000x1024xf32, #tpu.memory_space<hbm>>
    tpu.enqueue_indirect_dma source(%dma_start3A_889 : memref<26000x1024xf32, #tpu.memory_space<hbm>>) target(%arg8 : memref<16x1024xf32, #tpu.memory_space<vmem>>) offsets(%dma_start3A_886 : memref<16xi32, #tpu.memory_space<vmem>>) semaphore(%arg14 : memref<!tpu.dma_semaphore, #tpu.memory_space<semaphore_mem>>)
    %dma_wait3A = arith.constant 0 : i32
    %dma_wait3A_890 = arith.constant 0 : i32
    %dma_wait3A_891 = tpu.memref_slice %arg4[%dma_wait3A, %dma_wait3A_890] : memref<26624x1024xf32, #tpu.memory_space<hbm>> -> memref<16x1024xf32, #tpu.memory_space<hbm>>
    %dma_wait3A_892 = arith.constant 0 : i32
    %dma_wait3A_893 = arith.constant 0 : i32
    %dma_wait3A_894 = tpu.memref_slice %arg4[%dma_wait3A_892, %dma_wait3A_893] : memref<26624x1024xf32, #tpu.memory_space<hbm>> -> memref<16x1024xf32, #tpu.memory_space<hbm>>
    tpu.wait_dma2 semaphore(%arg12 : memref<!tpu.dma_semaphore, #tpu.memory_space<semaphore_mem>>) src(%dma_wait3A_894 : memref<16x1024xf32, #tpu.memory_space<hbm>>) dst(%arg6 : memref<16x1024xf32, #tpu.memory_space<vmem>>)
    %add3A_895 = arith.constant 0 : i32
    %add3A_896 = arith.addi %add3A_895, %mul3A_2 : i32
    %add3A_897 = arith.constant 0 : i32
    %add3A_898 = arith.addi %add3A_896, %add3A_897 : i32
    %dma_start3A_899 = arith.constant 0 : i32
    %dma_start3A_900 = tpu.memref_slice %arg4[%add3A_898, %dma_start3A_899] : memref<26624x1024xf32, #tpu.memory_space<hbm>> -> memref<16x1024xf32, #tpu.memory_space<hbm>>
    %dma_start3A_901 = arith.constant 0 : i32
    %dma_start3A_902 = tpu.memref_slice %arg4[%add3A_898, %dma_start3A_901] : memref<26624x1024xf32, #tpu.memory_space<hbm>> -> memref<16x1024xf32, #tpu.memory_space<hbm>>
    tpu.enqueue_dma source(%arg6 : memref<16x1024xf32, #tpu.memory_space<vmem>>) target(%dma_start3A_902 : memref<16x1024xf32, #tpu.memory_space<hbm>>) target_semaphore(%arg18 : memref<!tpu.dma_semaphore, #tpu.memory_space<semaphore_mem>>)
    %add3A_903 = arith.constant 16 : i32
    %add3A_904 = arith.addi %mul3A_36, %add3A_903 : i32
    %dma_start3A_905 = arith.constant 1 : i32
    %dma_start3A_906 = tpu.memref_slice %arg5[%dma_start3A_905, %add3A_904] : memref<26x128xi32, #tpu.memory_space<vmem>> -> memref<1x16xi32, #tpu.memory_space<vmem>>
    %dma_start3A_907 = tpu.memref_squeeze %dma_start3A_906 : memref<1x16xi32, #tpu.memory_space<vmem>> -> memref<16xi32, #tpu.memory_space<vmem>>
    %dma_start3A_908 = arith.constant 0 : i32
    %dma_start3A_909 = arith.constant 0 : i32
    %dma_start3A_910 = tpu.memref_slice %arg2[%dma_start3A_908, %dma_start3A_909] : memref<26000x1024xf32, #tpu.memory_space<hbm>> -> memref<26000x1024xf32, #tpu.memory_space<hbm>>
    tpu.enqueue_indirect_dma source(%dma_start3A_910 : memref<26000x1024xf32, #tpu.memory_space<hbm>>) target(%arg9 : memref<16x1024xf32, #tpu.memory_space<vmem>>) offsets(%dma_start3A_907 : memref<16xi32, #tpu.memory_space<vmem>>) semaphore(%arg15 : memref<!tpu.dma_semaphore, #tpu.memory_space<semaphore_mem>>)
    %dma_wait3A_911 = arith.constant 0 : i32
    %dma_wait3A_912 = arith.constant 0 : i32
    %dma_wait3A_913 = tpu.memref_slice %arg4[%dma_wait3A_911, %dma_wait3A_912] : memref<26624x1024xf32, #tpu.memory_space<hbm>> -> memref<16x1024xf32, #tpu.memory_space<hbm>>
    %dma_wait3A_914 = arith.constant 0 : i32
    %dma_wait3A_915 = arith.constant 0 : i32
    %dma_wait3A_916 = tpu.memref_slice %arg4[%dma_wait3A_914, %dma_wait3A_915] : memref<26624x1024xf32, #tpu.memory_space<hbm>> -> memref<16x1024xf32, #tpu.memory_space<hbm>>
    tpu.wait_dma2 semaphore(%arg13 : memref<!tpu.dma_semaphore, #tpu.memory_space<semaphore_mem>>) src(%dma_wait3A_916 : memref<16x1024xf32, #tpu.memory_space<hbm>>) dst(%arg7 : memref<16x1024xf32, #tpu.memory_space<vmem>>)
    %add3A_917 = arith.constant 0 : i32
    %add3A_918 = arith.addi %add3A_917, %mul3A_2 : i32
    %add3A_919 = arith.constant 16 : i32
    %add3A_920 = arith.addi %add3A_918, %add3A_919 : i32
    %dma_start3A_921 = arith.constant 0 : i32
    %dma_start3A_922 = tpu.memref_slice %arg4[%add3A_920, %dma_start3A_921] : memref<26624x1024xf32, #tpu.memory_space<hbm>> -> memref<16x1024xf32, #tpu.memory_space<hbm>>
    %dma_start3A_923 = arith.constant 0 : i32
    %dma_start3A_924 = tpu.memref_slice %arg4[%add3A_920, %dma_start3A_923] : memref<26624x1024xf32, #tpu.memory_space<hbm>> -> memref<16x1024xf32, #tpu.memory_space<hbm>>
    tpu.enqueue_dma source(%arg7 : memref<16x1024xf32, #tpu.memory_space<vmem>>) target(%dma_start3A_924 : memref<16x1024xf32, #tpu.memory_space<hbm>>) target_semaphore(%arg19 : memref<!tpu.dma_semaphore, #tpu.memory_space<semaphore_mem>>)
    %add3A_925 = arith.constant 0 : i32
    %add3A_926 = arith.addi %mul3A_36, %add3A_925 : i32
    %dma_start3A_927 = arith.constant 2 : i32
    %dma_start3A_928 = tpu.memref_slice %arg5[%dma_start3A_927, %add3A_926] : memref<26x128xi32, #tpu.memory_space<vmem>> -> memref<1x16xi32, #tpu.memory_space<vmem>>
    %dma_start3A_929 = tpu.memref_squeeze %dma_start3A_928 : memref<1x16xi32, #tpu.memory_space<vmem>> -> memref<16xi32, #tpu.memory_space<vmem>>
    %dma_start3A_930 = arith.constant 0 : i32
    %dma_start3A_931 = arith.constant 0 : i32
    %dma_start3A_932 = tpu.memref_slice %arg2[%dma_start3A_930, %dma_start3A_931] : memref<26000x1024xf32, #tpu.memory_space<hbm>> -> memref<26000x1024xf32, #tpu.memory_space<hbm>>
    tpu.enqueue_indirect_dma source(%dma_start3A_932 : memref<26000x1024xf32, #tpu.memory_space<hbm>>) target(%arg10 : memref<16x1024xf32, #tpu.memory_space<vmem>>) offsets(%dma_start3A_929 : memref<16xi32, #tpu.memory_space<vmem>>) semaphore(%arg16 : memref<!tpu.dma_semaphore, #tpu.memory_space<semaphore_mem>>)
    %dma_wait3A_933 = arith.constant 0 : i32
    %dma_wait3A_934 = arith.constant 0 : i32
    %dma_wait3A_935 = tpu.memref_slice %arg4[%dma_wait3A_933, %dma_wait3A_934] : memref<26624x1024xf32, #tpu.memory_space<hbm>> -> memref<16x1024xf32, #tpu.memory_space<hbm>>
    %dma_wait3A_936 = arith.constant 0 : i32
    %dma_wait3A_937 = arith.constant 0 : i32
    %dma_wait3A_938 = tpu.memref_slice %arg4[%dma_wait3A_936, %dma_wait3A_937] : memref<26624x1024xf32, #tpu.memory_space<hbm>> -> memref<16x1024xf32, #tpu.memory_space<hbm>>
    tpu.wait_dma2 semaphore(%arg14 : memref<!tpu.dma_semaphore, #tpu.memory_space<semaphore_mem>>) src(%dma_wait3A_938 : memref<16x1024xf32, #tpu.memory_space<hbm>>) dst(%arg8 : memref<16x1024xf32, #tpu.memory_space<vmem>>)
    %add3A_939 = arith.constant 1024 : i32
    %add3A_940 = arith.addi %add3A_939, %mul3A_2 : i32
    %add3A_941 = arith.constant 0 : i32
    %add3A_942 = arith.addi %add3A_940, %add3A_941 : i32
    %dma_start3A_943 = arith.constant 0 : i32
    %dma_start3A_944 = tpu.memref_slice %arg4[%add3A_942, %dma_start3A_943] : memref<26624x1024xf32, #tpu.memory_space<hbm>> -> memref<16x1024xf32, #tpu.memory_space<hbm>>
    %dma_start3A_945 = arith.constant 0 : i32
    %dma_start3A_946 = tpu.memref_slice %arg4[%add3A_942, %dma_start3A_945] : memref<26624x1024xf32, #tpu.memory_space<hbm>> -> memref<16x1024xf32, #tpu.memory_space<hbm>>
    tpu.enqueue_dma source(%arg8 : memref<16x1024xf32, #tpu.memory_space<vmem>>) target(%dma_start3A_946 : memref<16x1024xf32, #tpu.memory_space<hbm>>) target_semaphore(%arg20 : memref<!tpu.dma_semaphore, #tpu.memory_space<semaphore_mem>>)
    %add3A_947 = arith.constant 16 : i32
    %add3A_948 = arith.addi %mul3A_36, %add3A_947 : i32
    %dma_start3A_949 = arith.constant 2 : i32
    %dma_start3A_950 = tpu.memref_slice %arg5[%dma_start3A_949, %add3A_948] : memref<26x128xi32, #tpu.memory_space<vmem>> -> memref<1x16xi32, #tpu.memory_space<vmem>>
    %dma_start3A_951 = tpu.memref_squeeze %dma_start3A_950 : memref<1x16xi32, #tpu.memory_space<vmem>> -> memref<16xi32, #tpu.memory_space<vmem>>
    %dma_start3A_952 = arith.constant 0 : i32
    %dma_start3A_953 = arith.constant 0 : i32
    %dma_start3A_954 = tpu.memref_slice %arg2[%dma_start3A_952, %dma_start3A_953] : memref<26000x1024xf32, #tpu.memory_space<hbm>> -> memref<26000x1024xf32, #tpu.memory_space<hbm>>
    tpu.enqueue_indirect_dma source(%dma_start3A_954 : memref<26000x1024xf32, #tpu.memory_space<hbm>>) target(%arg11 : memref<16x1024xf32, #tpu.memory_space<vmem>>) offsets(%dma_start3A_951 : memref<16xi32, #tpu.memory_space<vmem>>) semaphore(%arg17 : memref<!tpu.dma_semaphore, #tpu.memory_space<semaphore_mem>>)
    %scan3A = arith.constant 0 : i32
    %scan3A_955 = arith.constant 7 : i32
    %scan3A_956 = arith.addi %scan3A, %scan3A_955 : i32
    %scan3A_957 = arith.constant 1 : i32
    scf.for %scan3A_1149 = %scan3A to %scan3A_956 step %scan3A_957  : i32 {
      %mul3A_1150 = arith.constant 6 : i32
      %mul3A_1151 = arith.muli %scan3A_1149, %mul3A_1150 : i32
      %add3A_1152 = arith.constant 6 : i32
      %add3A_1153 = arith.addi %add3A_1152, %mul3A_1151 : i32
      %add3A_1154 = arith.constant 0 : i32
      %add3A_1155 = arith.addi %add3A_1153, %add3A_1154 : i32
      %sub3A_1156 = arith.constant 3 : i32
      %sub3A_1157 = arith.subi %add3A_1155, %sub3A_1156 : i32
      %shift_right_logical3A = arith.constant 1 : i32
      %shift_right_logical3A_1158 = arith.shrui %sub3A_1157, %shift_right_logical3A : i32
      %shift_right_logical3A_1159 = arith.constant 1 : i32
      %shift_right_logical3A_1160 = arith.shrui %add3A_1155, %shift_right_logical3A_1159 : i32
      %dma_wait3A_1161 = arith.constant 0 : i32
      %dma_wait3A_1162 = arith.constant 0 : i32
      %dma_wait3A_1163 = tpu.memref_slice %arg4[%dma_wait3A_1161, %dma_wait3A_1162] : memref<26624x1024xf32, #tpu.memory_space<hbm>> -> memref<16x1024xf32, #tpu.memory_space<hbm>>
      %dma_wait3A_1164 = arith.constant 0 : i32
      %dma_wait3A_1165 = arith.constant 0 : i32
      %dma_wait3A_1166 = tpu.memref_slice %arg4[%dma_wait3A_1164, %dma_wait3A_1165] : memref<26624x1024xf32, #tpu.memory_space<hbm>> -> memref<16x1024xf32, #tpu.memory_space<hbm>>
      tpu.wait_dma2 semaphore(%arg15 : memref<!tpu.dma_semaphore, #tpu.memory_space<semaphore_mem>>) src(%dma_wait3A_1166 : memref<16x1024xf32, #tpu.memory_space<hbm>>) dst(%arg9 : memref<16x1024xf32, #tpu.memory_space<vmem>>)
      %mul3A_1167 = arith.constant 1024 : i32
      %mul3A_1168 = arith.muli %shift_right_logical3A_1158, %mul3A_1167 : i32
      %add3A_1169 = arith.addi %mul3A_1168, %mul3A_2 : i32
      %add3A_1170 = arith.constant 16 : i32
      %add3A_1171 = arith.addi %add3A_1169, %add3A_1170 : i32
      %dma_start3A_1172 = arith.constant 0 : i32
      %dma_start3A_1173 = tpu.memref_slice %arg4[%add3A_1171, %dma_start3A_1172] : memref<26624x1024xf32, #tpu.memory_space<hbm>> -> memref<16x1024xf32, #tpu.memory_space<hbm>>
      %dma_start3A_1174 = arith.constant 0 : i32
      %dma_start3A_1175 = tpu.memref_slice %arg4[%add3A_1171, %dma_start3A_1174] : memref<26624x1024xf32, #tpu.memory_space<hbm>> -> memref<16x1024xf32, #tpu.memory_space<hbm>>
      tpu.enqueue_dma source(%arg9 : memref<16x1024xf32, #tpu.memory_space<vmem>>) target(%dma_start3A_1175 : memref<16x1024xf32, #tpu.memory_space<hbm>>) target_semaphore(%arg21 : memref<!tpu.dma_semaphore, #tpu.memory_space<semaphore_mem>>)
      %dma_wait3A_1176 = arith.constant 0 : i32
      %dma_wait3A_1177 = arith.constant 0 : i32
      %dma_wait3A_1178 = tpu.memref_slice %arg4[%dma_wait3A_1176, %dma_wait3A_1177] : memref<26624x1024xf32, #tpu.memory_space<hbm>> -> memref<16x1024xf32, #tpu.memory_space<hbm>>
      %dma_wait3A_1179 = arith.constant 0 : i32
      %dma_wait3A_1180 = arith.constant 0 : i32
      %dma_wait3A_1181 = tpu.memref_slice %arg4[%dma_wait3A_1179, %dma_wait3A_1180] : memref<26624x1024xf32, #tpu.memory_space<hbm>> -> memref<16x1024xf32, #tpu.memory_space<hbm>>
      tpu.wait_dma2 semaphore(%arg18 : memref<!tpu.dma_semaphore, #tpu.memory_space<semaphore_mem>>) src(%arg6 : memref<16x1024xf32, #tpu.memory_space<vmem>>) dst(%dma_wait3A_1181 : memref<16x1024xf32, #tpu.memory_space<hbm>>)
      %add3A_1182 = arith.constant 0 : i32
      %add3A_1183 = arith.addi %mul3A_36, %add3A_1182 : i32
      %dma_start3A_1184 = tpu.memref_slice %arg5[%shift_right_logical3A_1160, %add3A_1183] : memref<26x128xi32, #tpu.memory_space<vmem>> -> memref<1x16xi32, #tpu.memory_space<vmem>>
      %dma_start3A_1185 = tpu.memref_squeeze %dma_start3A_1184 : memref<1x16xi32, #tpu.memory_space<vmem>> -> memref<16xi32, #tpu.memory_space<vmem>>
      %dma_start3A_1186 = arith.constant 0 : i32
      %dma_start3A_1187 = arith.constant 0 : i32
      %dma_start3A_1188 = tpu.memref_slice %arg2[%dma_start3A_1186, %dma_start3A_1187] : memref<26000x1024xf32, #tpu.memory_space<hbm>> -> memref<26000x1024xf32, #tpu.memory_space<hbm>>
      tpu.enqueue_indirect_dma source(%dma_start3A_1188 : memref<26000x1024xf32, #tpu.memory_space<hbm>>) target(%arg6 : memref<16x1024xf32, #tpu.memory_space<vmem>>) offsets(%dma_start3A_1185 : memref<16xi32, #tpu.memory_space<vmem>>) semaphore(%arg12 : memref<!tpu.dma_semaphore, #tpu.memory_space<semaphore_mem>>)
      %add3A_1189 = arith.constant 1 : i32
      %add3A_1190 = arith.addi %add3A_1153, %add3A_1189 : i32
      %sub3A_1191 = arith.constant 3 : i32
      %sub3A_1192 = arith.subi %add3A_1190, %sub3A_1191 : i32
      %shift_right_logical3A_1193 = arith.constant 1 : i32
      %shift_right_logical3A_1194 = arith.shrui %sub3A_1192, %shift_right_logical3A_1193 : i32
      %shift_right_logical3A_1195 = arith.constant 1 : i32
      %shift_right_logical3A_1196 = arith.shrui %add3A_1190, %shift_right_logical3A_1195 : i32
      %dma_wait3A_1197 = arith.constant 0 : i32
      %dma_wait3A_1198 = arith.constant 0 : i32
      %dma_wait3A_1199 = tpu.memref_slice %arg4[%dma_wait3A_1197, %dma_wait3A_1198] : memref<26624x1024xf32, #tpu.memory_space<hbm>> -> memref<16x1024xf32, #tpu.memory_space<hbm>>
      %dma_wait3A_1200 = arith.constant 0 : i32
      %dma_wait3A_1201 = arith.constant 0 : i32
      %dma_wait3A_1202 = tpu.memref_slice %arg4[%dma_wait3A_1200, %dma_wait3A_1201] : memref<26624x1024xf32, #tpu.memory_space<hbm>> -> memref<16x1024xf32, #tpu.memory_space<hbm>>
      tpu.wait_dma2 semaphore(%arg16 : memref<!tpu.dma_semaphore, #tpu.memory_space<semaphore_mem>>) src(%dma_wait3A_1202 : memref<16x1024xf32, #tpu.memory_space<hbm>>) dst(%arg10 : memref<16x1024xf32, #tpu.memory_space<vmem>>)
      %mul3A_1203 = arith.constant 1024 : i32
      %mul3A_1204 = arith.muli %shift_right_logical3A_1194, %mul3A_1203 : i32
      %add3A_1205 = arith.addi %mul3A_1204, %mul3A_2 : i32
      %add3A_1206 = arith.constant 0 : i32
      %add3A_1207 = arith.addi %add3A_1205, %add3A_1206 : i32
      %dma_start3A_1208 = arith.constant 0 : i32
      %dma_start3A_1209 = tpu.memref_slice %arg4[%add3A_1207, %dma_start3A_1208] : memref<26624x1024xf32, #tpu.memory_space<hbm>> -> memref<16x1024xf32, #tpu.memory_space<hbm>>
      %dma_start3A_1210 = arith.constant 0 : i32
      %dma_start3A_1211 = tpu.memref_slice %arg4[%add3A_1207, %dma_start3A_1210] : memref<26624x1024xf32, #tpu.memory_space<hbm>> -> memref<16x1024xf32, #tpu.memory_space<hbm>>
      tpu.enqueue_dma source(%arg10 : memref<16x1024xf32, #tpu.memory_space<vmem>>) target(%dma_start3A_1211 : memref<16x1024xf32, #tpu.memory_space<hbm>>) target_semaphore(%arg22 : memref<!tpu.dma_semaphore, #tpu.memory_space<semaphore_mem>>)
      %dma_wait3A_1212 = arith.constant 0 : i32
      %dma_wait3A_1213 = arith.constant 0 : i32
      %dma_wait3A_1214 = tpu.memref_slice %arg4[%dma_wait3A_1212, %dma_wait3A_1213] : memref<26624x1024xf32, #tpu.memory_space<hbm>> -> memref<16x1024xf32, #tpu.memory_space<hbm>>
      %dma_wait3A_1215 = arith.constant 0 : i32
      %dma_wait3A_1216 = arith.constant 0 : i32
      %dma_wait3A_1217 = tpu.memref_slice %arg4[%dma_wait3A_1215, %dma_wait3A_1216] : memref<26624x1024xf32, #tpu.memory_space<hbm>> -> memref<16x1024xf32, #tpu.memory_space<hbm>>
      tpu.wait_dma2 semaphore(%arg19 : memref<!tpu.dma_semaphore, #tpu.memory_space<semaphore_mem>>) src(%arg7 : memref<16x1024xf32, #tpu.memory_space<vmem>>) dst(%dma_wait3A_1217 : memref<16x1024xf32, #tpu.memory_space<hbm>>)
      %add3A_1218 = arith.constant 16 : i32
      %add3A_1219 = arith.addi %mul3A_36, %add3A_1218 : i32
      %dma_start3A_1220 = tpu.memref_slice %arg5[%shift_right_logical3A_1196, %add3A_1219] : memref<26x128xi32, #tpu.memory_space<vmem>> -> memref<1x16xi32, #tpu.memory_space<vmem>>
      %dma_start3A_1221 = tpu.memref_squeeze %dma_start3A_1220 : memref<1x16xi32, #tpu.memory_space<vmem>> -> memref<16xi32, #tpu.memory_space<vmem>>
      %dma_start3A_1222 = arith.constant 0 : i32
      %dma_start3A_1223 = arith.constant 0 : i32
      %dma_start3A_1224 = tpu.memref_slice %arg2[%dma_start3A_1222, %dma_start3A_1223] : memref<26000x1024xf32, #tpu.memory_space<hbm>> -> memref<26000x1024xf32, #tpu.memory_space<hbm>>
      tpu.enqueue_indirect_dma source(%dma_start3A_1224 : memref<26000x1024xf32, #tpu.memory_space<hbm>>) target(%arg7 : memref<16x1024xf32, #tpu.memory_space<vmem>>) offsets(%dma_start3A_1221 : memref<16xi32, #tpu.memory_space<vmem>>) semaphore(%arg13 : memref<!tpu.dma_semaphore, #tpu.memory_space<semaphore_mem>>)
      %add3A_1225 = arith.constant 2 : i32
      %add3A_1226 = arith.addi %add3A_1153, %add3A_1225 : i32
      %sub3A_1227 = arith.constant 3 : i32
      %sub3A_1228 = arith.subi %add3A_1226, %sub3A_1227 : i32
      %shift_right_logical3A_1229 = arith.constant 1 : i32
      %shift_right_logical3A_1230 = arith.shrui %sub3A_1228, %shift_right_logical3A_1229 : i32
      %shift_right_logical3A_1231 = arith.constant 1 : i32
      %shift_right_logical3A_1232 = arith.shrui %add3A_1226, %shift_right_logical3A_1231 : i32
      %dma_wait3A_1233 = arith.constant 0 : i32
      %dma_wait3A_1234 = arith.constant 0 : i32
      %dma_wait3A_1235 = tpu.memref_slice %arg4[%dma_wait3A_1233, %dma_wait3A_1234] : memref<26624x1024xf32, #tpu.memory_space<hbm>> -> memref<16x1024xf32, #tpu.memory_space<hbm>>
      %dma_wait3A_1236 = arith.constant 0 : i32
      %dma_wait3A_1237 = arith.constant 0 : i32
      %dma_wait3A_1238 = tpu.memref_slice %arg4[%dma_wait3A_1236, %dma_wait3A_1237] : memref<26624x1024xf32, #tpu.memory_space<hbm>> -> memref<16x1024xf32, #tpu.memory_space<hbm>>
      tpu.wait_dma2 semaphore(%arg17 : memref<!tpu.dma_semaphore, #tpu.memory_space<semaphore_mem>>) src(%dma_wait3A_1238 : memref<16x1024xf32, #tpu.memory_space<hbm>>) dst(%arg11 : memref<16x1024xf32, #tpu.memory_space<vmem>>)
      %mul3A_1239 = arith.constant 1024 : i32
      %mul3A_1240 = arith.muli %shift_right_logical3A_1230, %mul3A_1239 : i32
      %add3A_1241 = arith.addi %mul3A_1240, %mul3A_2 : i32
      %add3A_1242 = arith.constant 16 : i32
      %add3A_1243 = arith.addi %add3A_1241, %add3A_1242 : i32
      %dma_start3A_1244 = arith.constant 0 : i32
      %dma_start3A_1245 = tpu.memref_slice %arg4[%add3A_1243, %dma_start3A_1244] : memref<26624x1024xf32, #tpu.memory_space<hbm>> -> memref<16x1024xf32, #tpu.memory_space<hbm>>
      %dma_start3A_1246 = arith.constant 0 : i32
      %dma_start3A_1247 = tpu.memref_slice %arg4[%add3A_1243, %dma_start3A_1246] : memref<26624x1024xf32, #tpu.memory_space<hbm>> -> memref<16x1024xf32, #tpu.memory_space<hbm>>
      tpu.enqueue_dma source(%arg11 : memref<16x1024xf32, #tpu.memory_space<vmem>>) target(%dma_start3A_1247 : memref<16x1024xf32, #tpu.memory_space<hbm>>) target_semaphore(%arg23 : memref<!tpu.dma_semaphore, #tpu.memory_space<semaphore_mem>>)
      %dma_wait3A_1248 = arith.constant 0 : i32
      %dma_wait3A_1249 = arith.constant 0 : i32
      %dma_wait3A_1250 = tpu.memref_slice %arg4[%dma_wait3A_1248, %dma_wait3A_1249] : memref<26624x1024xf32, #tpu.memory_space<hbm>> -> memref<16x1024xf32, #tpu.memory_space<hbm>>
      %dma_wait3A_1251 = arith.constant 0 : i32
      %dma_wait3A_1252 = arith.constant 0 : i32
      %dma_wait3A_1253 = tpu.memref_slice %arg4[%dma_wait3A_1251, %dma_wait3A_1252] : memref<26624x1024xf32, #tpu.memory_space<hbm>> -> memref<16x1024xf32, #tpu.memory_space<hbm>>
      tpu.wait_dma2 semaphore(%arg20 : memref<!tpu.dma_semaphore, #tpu.memory_space<semaphore_mem>>) src(%arg8 : memref<16x1024xf32, #tpu.memory_space<vmem>>) dst(%dma_wait3A_1253 : memref<16x1024xf32, #tpu.memory_space<hbm>>)
      %add3A_1254 = arith.constant 0 : i32
      %add3A_1255 = arith.addi %mul3A_36, %add3A_1254 : i32
      %dma_start3A_1256 = tpu.memref_slice %arg5[%shift_right_logical3A_1232, %add3A_1255] : memref<26x128xi32, #tpu.memory_space<vmem>> -> memref<1x16xi32, #tpu.memory_space<vmem>>
      %dma_start3A_1257 = tpu.memref_squeeze %dma_start3A_1256 : memref<1x16xi32, #tpu.memory_space<vmem>> -> memref<16xi32, #tpu.memory_space<vmem>>
      %dma_start3A_1258 = arith.constant 0 : i32
      %dma_start3A_1259 = arith.constant 0 : i32
      %dma_start3A_1260 = tpu.memref_slice %arg2[%dma_start3A_1258, %dma_start3A_1259] : memref<26000x1024xf32, #tpu.memory_space<hbm>> -> memref<26000x1024xf32, #tpu.memory_space<hbm>>
      tpu.enqueue_indirect_dma source(%dma_start3A_1260 : memref<26000x1024xf32, #tpu.memory_space<hbm>>) target(%arg8 : memref<16x1024xf32, #tpu.memory_space<vmem>>) offsets(%dma_start3A_1257 : memref<16xi32, #tpu.memory_space<vmem>>) semaphore(%arg14 : memref<!tpu.dma_semaphore, #tpu.memory_space<semaphore_mem>>)
      %add3A_1261 = arith.constant 3 : i32
      %add3A_1262 = arith.addi %add3A_1153, %add3A_1261 : i32
      %sub3A_1263 = arith.constant 3 : i32
      %sub3A_1264 = arith.subi %add3A_1262, %sub3A_1263 : i32
      %shift_right_logical3A_1265 = arith.constant 1 : i32
      %shift_right_logical3A_1266 = arith.shrui %sub3A_1264, %shift_right_logical3A_1265 : i32
      %shift_right_logical3A_1267 = arith.constant 1 : i32
      %shift_right_logical3A_1268 = arith.shrui %add3A_1262, %shift_right_logical3A_1267 : i32
      %dma_wait3A_1269 = arith.constant 0 : i32
      %dma_wait3A_1270 = arith.constant 0 : i32
      %dma_wait3A_1271 = tpu.memref_slice %arg4[%dma_wait3A_1269, %dma_wait3A_1270] : memref<26624x1024xf32, #tpu.memory_space<hbm>> -> memref<16x1024xf32, #tpu.memory_space<hbm>>
      %dma_wait3A_1272 = arith.constant 0 : i32
      %dma_wait3A_1273 = arith.constant 0 : i32
      %dma_wait3A_1274 = tpu.memref_slice %arg4[%dma_wait3A_1272, %dma_wait3A_1273] : memref<26624x1024xf32, #tpu.memory_space<hbm>> -> memref<16x1024xf32, #tpu.memory_space<hbm>>
      tpu.wait_dma2 semaphore(%arg12 : memref<!tpu.dma_semaphore, #tpu.memory_space<semaphore_mem>>) src(%dma_wait3A_1274 : memref<16x1024xf32, #tpu.memory_space<hbm>>) dst(%arg6 : memref<16x1024xf32, #tpu.memory_space<vmem>>)
      %mul3A_1275 = arith.constant 1024 : i32
      %mul3A_1276 = arith.muli %shift_right_logical3A_1266, %mul3A_1275 : i32
      %add3A_1277 = arith.addi %mul3A_1276, %mul3A_2 : i32
      %add3A_1278 = arith.constant 0 : i32
      %add3A_1279 = arith.addi %add3A_1277, %add3A_1278 : i32
      %dma_start3A_1280 = arith.constant 0 : i32
      %dma_start3A_1281 = tpu.memref_slice %arg4[%add3A_1279, %dma_start3A_1280] : memref<26624x1024xf32, #tpu.memory_space<hbm>> -> memref<16x1024xf32, #tpu.memory_space<hbm>>
      %dma_start3A_1282 = arith.constant 0 : i32
      %dma_start3A_1283 = tpu.memref_slice %arg4[%add3A_1279, %dma_start3A_1282] : memref<26624x1024xf32, #tpu.memory_space<hbm>> -> memref<16x1024xf32, #tpu.memory_space<hbm>>
      tpu.enqueue_dma source(%arg6 : memref<16x1024xf32, #tpu.memory_space<vmem>>) target(%dma_start3A_1283 : memref<16x1024xf32, #tpu.memory_space<hbm>>) target_semaphore(%arg18 : memref<!tpu.dma_semaphore, #tpu.memory_space<semaphore_mem>>)
      %dma_wait3A_1284 = arith.constant 0 : i32
      %dma_wait3A_1285 = arith.constant 0 : i32
      %dma_wait3A_1286 = tpu.memref_slice %arg4[%dma_wait3A_1284, %dma_wait3A_1285] : memref<26624x1024xf32, #tpu.memory_space<hbm>> -> memref<16x1024xf32, #tpu.memory_space<hbm>>
      %dma_wait3A_1287 = arith.constant 0 : i32
      %dma_wait3A_1288 = arith.constant 0 : i32
      %dma_wait3A_1289 = tpu.memref_slice %arg4[%dma_wait3A_1287, %dma_wait3A_1288] : memref<26624x1024xf32, #tpu.memory_space<hbm>> -> memref<16x1024xf32, #tpu.memory_space<hbm>>
      tpu.wait_dma2 semaphore(%arg21 : memref<!tpu.dma_semaphore, #tpu.memory_space<semaphore_mem>>) src(%arg9 : memref<16x1024xf32, #tpu.memory_space<vmem>>) dst(%dma_wait3A_1289 : memref<16x1024xf32, #tpu.memory_space<hbm>>)
      %add3A_1290 = arith.constant 16 : i32
      %add3A_1291 = arith.addi %mul3A_36, %add3A_1290 : i32
      %dma_start3A_1292 = tpu.memref_slice %arg5[%shift_right_logical3A_1268, %add3A_1291] : memref<26x128xi32, #tpu.memory_space<vmem>> -> memref<1x16xi32, #tpu.memory_space<vmem>>
      %dma_start3A_1293 = tpu.memref_squeeze %dma_start3A_1292 : memref<1x16xi32, #tpu.memory_space<vmem>> -> memref<16xi32, #tpu.memory_space<vmem>>
      %dma_start3A_1294 = arith.constant 0 : i32
      %dma_start3A_1295 = arith.constant 0 : i32
      %dma_start3A_1296 = tpu.memref_slice %arg2[%dma_start3A_1294, %dma_start3A_1295] : memref<26000x1024xf32, #tpu.memory_space<hbm>> -> memref<26000x1024xf32, #tpu.memory_space<hbm>>
      tpu.enqueue_indirect_dma source(%dma_start3A_1296 : memref<26000x1024xf32, #tpu.memory_space<hbm>>) target(%arg9 : memref<16x1024xf32, #tpu.memory_space<vmem>>) offsets(%dma_start3A_1293 : memref<16xi32, #tpu.memory_space<vmem>>) semaphore(%arg15 : memref<!tpu.dma_semaphore, #tpu.memory_space<semaphore_mem>>)
      %add3A_1297 = arith.constant 4 : i32
      %add3A_1298 = arith.addi %add3A_1153, %add3A_1297 : i32
      %sub3A_1299 = arith.constant 3 : i32
      %sub3A_1300 = arith.subi %add3A_1298, %sub3A_1299 : i32
      %shift_right_logical3A_1301 = arith.constant 1 : i32
      %shift_right_logical3A_1302 = arith.shrui %sub3A_1300, %shift_right_logical3A_1301 : i32
      %shift_right_logical3A_1303 = arith.constant 1 : i32
      %shift_right_logical3A_1304 = arith.shrui %add3A_1298, %shift_right_logical3A_1303 : i32
      %dma_wait3A_1305 = arith.constant 0 : i32
      %dma_wait3A_1306 = arith.constant 0 : i32
      %dma_wait3A_1307 = tpu.memref_slice %arg4[%dma_wait3A_1305, %dma_wait3A_1306] : memref<26624x1024xf32, #tpu.memory_space<hbm>> -> memref<16x1024xf32, #tpu.memory_space<hbm>>
      %dma_wait3A_1308 = arith.constant 0 : i32
      %dma_wait3A_1309 = arith.constant 0 : i32
      %dma_wait3A_1310 = tpu.memref_slice %arg4[%dma_wait3A_1308, %dma_wait3A_1309] : memref<26624x1024xf32, #tpu.memory_space<hbm>> -> memref<16x1024xf32, #tpu.memory_space<hbm>>
      tpu.wait_dma2 semaphore(%arg13 : memref<!tpu.dma_semaphore, #tpu.memory_space<semaphore_mem>>) src(%dma_wait3A_1310 : memref<16x1024xf32, #tpu.memory_space<hbm>>) dst(%arg7 : memref<16x1024xf32, #tpu.memory_space<vmem>>)
      %mul3A_1311 = arith.constant 1024 : i32
      %mul3A_1312 = arith.muli %shift_right_logical3A_1302, %mul3A_1311 : i32
      %add3A_1313 = arith.addi %mul3A_1312, %mul3A_2 : i32
      %add3A_1314 = arith.constant 16 : i32
      %add3A_1315 = arith.addi %add3A_1313, %add3A_1314 : i32
      %dma_start3A_1316 = arith.constant 0 : i32
      %dma_start3A_1317 = tpu.memref_slice %arg4[%add3A_1315, %dma_start3A_1316] : memref<26624x1024xf32, #tpu.memory_space<hbm>> -> memref<16x1024xf32, #tpu.memory_space<hbm>>
      %dma_start3A_1318 = arith.constant 0 : i32
      %dma_start3A_1319 = tpu.memref_slice %arg4[%add3A_1315, %dma_start3A_1318] : memref<26624x1024xf32, #tpu.memory_space<hbm>> -> memref<16x1024xf32, #tpu.memory_space<hbm>>
      tpu.enqueue_dma source(%arg7 : memref<16x1024xf32, #tpu.memory_space<vmem>>) target(%dma_start3A_1319 : memref<16x1024xf32, #tpu.memory_space<hbm>>) target_semaphore(%arg19 : memref<!tpu.dma_semaphore, #tpu.memory_space<semaphore_mem>>)
      %dma_wait3A_1320 = arith.constant 0 : i32
      %dma_wait3A_1321 = arith.constant 0 : i32
      %dma_wait3A_1322 = tpu.memref_slice %arg4[%dma_wait3A_1320, %dma_wait3A_1321] : memref<26624x1024xf32, #tpu.memory_space<hbm>> -> memref<16x1024xf32, #tpu.memory_space<hbm>>
      %dma_wait3A_1323 = arith.constant 0 : i32
      %dma_wait3A_1324 = arith.constant 0 : i32
      %dma_wait3A_1325 = tpu.memref_slice %arg4[%dma_wait3A_1323, %dma_wait3A_1324] : memref<26624x1024xf32, #tpu.memory_space<hbm>> -> memref<16x1024xf32, #tpu.memory_space<hbm>>
      tpu.wait_dma2 semaphore(%arg22 : memref<!tpu.dma_semaphore, #tpu.memory_space<semaphore_mem>>) src(%arg10 : memref<16x1024xf32, #tpu.memory_space<vmem>>) dst(%dma_wait3A_1325 : memref<16x1024xf32, #tpu.memory_space<hbm>>)
      %add3A_1326 = arith.constant 0 : i32
      %add3A_1327 = arith.addi %mul3A_36, %add3A_1326 : i32
      %dma_start3A_1328 = tpu.memref_slice %arg5[%shift_right_logical3A_1304, %add3A_1327] : memref<26x128xi32, #tpu.memory_space<vmem>> -> memref<1x16xi32, #tpu.memory_space<vmem>>
      %dma_start3A_1329 = tpu.memref_squeeze %dma_start3A_1328 : memref<1x16xi32, #tpu.memory_space<vmem>> -> memref<16xi32, #tpu.memory_space<vmem>>
      %dma_start3A_1330 = arith.constant 0 : i32
      %dma_start3A_1331 = arith.constant 0 : i32
      %dma_start3A_1332 = tpu.memref_slice %arg2[%dma_start3A_1330, %dma_start3A_1331] : memref<26000x1024xf32, #tpu.memory_space<hbm>> -> memref<26000x1024xf32, #tpu.memory_space<hbm>>
      tpu.enqueue_indirect_dma source(%dma_start3A_1332 : memref<26000x1024xf32, #tpu.memory_space<hbm>>) target(%arg10 : memref<16x1024xf32, #tpu.memory_space<vmem>>) offsets(%dma_start3A_1329 : memref<16xi32, #tpu.memory_space<vmem>>) semaphore(%arg16 : memref<!tpu.dma_semaphore, #tpu.memory_space<semaphore_mem>>)
      %add3A_1333 = arith.constant 5 : i32
      %add3A_1334 = arith.addi %add3A_1153, %add3A_1333 : i32
      %sub3A_1335 = arith.constant 3 : i32
      %sub3A_1336 = arith.subi %add3A_1334, %sub3A_1335 : i32
      %shift_right_logical3A_1337 = arith.constant 1 : i32
      %shift_right_logical3A_1338 = arith.shrui %sub3A_1336, %shift_right_logical3A_1337 : i32
      %shift_right_logical3A_1339 = arith.constant 1 : i32
      %shift_right_logical3A_1340 = arith.shrui %add3A_1334, %shift_right_logical3A_1339 : i32
      %dma_wait3A_1341 = arith.constant 0 : i32
      %dma_wait3A_1342 = arith.constant 0 : i32
      %dma_wait3A_1343 = tpu.memref_slice %arg4[%dma_wait3A_1341, %dma_wait3A_1342] : memref<26624x1024xf32, #tpu.memory_space<hbm>> -> memref<16x1024xf32, #tpu.memory_space<hbm>>
      %dma_wait3A_1344 = arith.constant 0 : i32
      %dma_wait3A_1345 = arith.constant 0 : i32
      %dma_wait3A_1346 = tpu.memref_slice %arg4[%dma_wait3A_1344, %dma_wait3A_1345] : memref<26624x1024xf32, #tpu.memory_space<hbm>> -> memref<16x1024xf32, #tpu.memory_space<hbm>>
      tpu.wait_dma2 semaphore(%arg14 : memref<!tpu.dma_semaphore, #tpu.memory_space<semaphore_mem>>) src(%dma_wait3A_1346 : memref<16x1024xf32, #tpu.memory_space<hbm>>) dst(%arg8 : memref<16x1024xf32, #tpu.memory_space<vmem>>)
      %mul3A_1347 = arith.constant 1024 : i32
      %mul3A_1348 = arith.muli %shift_right_logical3A_1338, %mul3A_1347 : i32
      %add3A_1349 = arith.addi %mul3A_1348, %mul3A_2 : i32
      %add3A_1350 = arith.constant 0 : i32
      %add3A_1351 = arith.addi %add3A_1349, %add3A_1350 : i32
      %dma_start3A_1352 = arith.constant 0 : i32
      %dma_start3A_1353 = tpu.memref_slice %arg4[%add3A_1351, %dma_start3A_1352] : memref<26624x1024xf32, #tpu.memory_space<hbm>> -> memref<16x1024xf32, #tpu.memory_space<hbm>>
      %dma_start3A_1354 = arith.constant 0 : i32
      %dma_start3A_1355 = tpu.memref_slice %arg4[%add3A_1351, %dma_start3A_1354] : memref<26624x1024xf32, #tpu.memory_space<hbm>> -> memref<16x1024xf32, #tpu.memory_space<hbm>>
      tpu.enqueue_dma source(%arg8 : memref<16x1024xf32, #tpu.memory_space<vmem>>) target(%dma_start3A_1355 : memref<16x1024xf32, #tpu.memory_space<hbm>>) target_semaphore(%arg20 : memref<!tpu.dma_semaphore, #tpu.memory_space<semaphore_mem>>)
      %dma_wait3A_1356 = arith.constant 0 : i32
      %dma_wait3A_1357 = arith.constant 0 : i32
      %dma_wait3A_1358 = tpu.memref_slice %arg4[%dma_wait3A_1356, %dma_wait3A_1357] : memref<26624x1024xf32, #tpu.memory_space<hbm>> -> memref<16x1024xf32, #tpu.memory_space<hbm>>
      %dma_wait3A_1359 = arith.constant 0 : i32
      %dma_wait3A_1360 = arith.constant 0 : i32
      %dma_wait3A_1361 = tpu.memref_slice %arg4[%dma_wait3A_1359, %dma_wait3A_1360] : memref<26624x1024xf32, #tpu.memory_space<hbm>> -> memref<16x1024xf32, #tpu.memory_space<hbm>>
      tpu.wait_dma2 semaphore(%arg23 : memref<!tpu.dma_semaphore, #tpu.memory_space<semaphore_mem>>) src(%arg11 : memref<16x1024xf32, #tpu.memory_space<vmem>>) dst(%dma_wait3A_1361 : memref<16x1024xf32, #tpu.memory_space<hbm>>)
      %add3A_1362 = arith.constant 16 : i32
      %add3A_1363 = arith.addi %mul3A_36, %add3A_1362 : i32
      %dma_start3A_1364 = tpu.memref_slice %arg5[%shift_right_logical3A_1340, %add3A_1363] : memref<26x128xi32, #tpu.memory_space<vmem>> -> memref<1x16xi32, #tpu.memory_space<vmem>>
      %dma_start3A_1365 = tpu.memref_squeeze %dma_start3A_1364 : memref<1x16xi32, #tpu.memory_space<vmem>> -> memref<16xi32, #tpu.memory_space<vmem>>
      %dma_start3A_1366 = arith.constant 0 : i32
      %dma_start3A_1367 = arith.constant 0 : i32
      %dma_start3A_1368 = tpu.memref_slice %arg2[%dma_start3A_1366, %dma_start3A_1367] : memref<26000x1024xf32, #tpu.memory_space<hbm>> -> memref<26000x1024xf32, #tpu.memory_space<hbm>>
      tpu.enqueue_indirect_dma source(%dma_start3A_1368 : memref<26000x1024xf32, #tpu.memory_space<hbm>>) target(%arg11 : memref<16x1024xf32, #tpu.memory_space<vmem>>) offsets(%dma_start3A_1365 : memref<16xi32, #tpu.memory_space<vmem>>) semaphore(%arg17 : memref<!tpu.dma_semaphore, #tpu.memory_space<semaphore_mem>>)
    }
    %scan3A_958 = arith.constant 7 : i32
    %dma_wait3A_959 = arith.constant 0 : i32
    %dma_wait3A_960 = arith.constant 0 : i32
    %dma_wait3A_961 = tpu.memref_slice %arg4[%dma_wait3A_959, %dma_wait3A_960] : memref<26624x1024xf32, #tpu.memory_space<hbm>> -> memref<16x1024xf32, #tpu.memory_space<hbm>>
    %dma_wait3A_962 = arith.constant 0 : i32
    %dma_wait3A_963 = arith.constant 0 : i32
    %dma_wait3A_964 = tpu.memref_slice %arg4[%dma_wait3A_962, %dma_wait3A_963] : memref<26624x1024xf32, #tpu.memory_space<hbm>> -> memref<16x1024xf32, #tpu.memory_space<hbm>>
    tpu.wait_dma2 semaphore(%arg15 : memref<!tpu.dma_semaphore, #tpu.memory_space<semaphore_mem>>) src(%dma_wait3A_964 : memref<16x1024xf32, #tpu.memory_space<hbm>>) dst(%arg9 : memref<16x1024xf32, #tpu.memory_space<vmem>>)
    %add3A_965 = arith.constant 22528 : i32
    %add3A_966 = arith.addi %add3A_965, %mul3A_2 : i32
    %add3A_967 = arith.constant 16 : i32
    %add3A_968 = arith.addi %add3A_966, %add3A_967 : i32
    %dma_start3A_969 = arith.constant 0 : i32
    %dma_start3A_970 = tpu.memref_slice %arg4[%add3A_968, %dma_start3A_969] : memref<26624x1024xf32, #tpu.memory_space<hbm>> -> memref<16x1024xf32, #tpu.memory_space<hbm>>
    %dma_start3A_971 = arith.constant 0 : i32
    %dma_start3A_972 = tpu.memref_slice %arg4[%add3A_968, %dma_start3A_971] : memref<26624x1024xf32, #tpu.memory_space<hbm>> -> memref<16x1024xf32, #tpu.memory_space<hbm>>
    tpu.enqueue_dma source(%arg9 : memref<16x1024xf32, #tpu.memory_space<vmem>>) target(%dma_start3A_972 : memref<16x1024xf32, #tpu.memory_space<hbm>>) target_semaphore(%arg21 : memref<!tpu.dma_semaphore, #tpu.memory_space<semaphore_mem>>)
    %dma_wait3A_973 = arith.constant 0 : i32
    %dma_wait3A_974 = arith.constant 0 : i32
    %dma_wait3A_975 = tpu.memref_slice %arg4[%dma_wait3A_973, %dma_wait3A_974] : memref<26624x1024xf32, #tpu.memory_space<hbm>> -> memref<16x1024xf32, #tpu.memory_space<hbm>>
    %dma_wait3A_976 = arith.constant 0 : i32
    %dma_wait3A_977 = arith.constant 0 : i32
    %dma_wait3A_978 = tpu.memref_slice %arg4[%dma_wait3A_976, %dma_wait3A_977] : memref<26624x1024xf32, #tpu.memory_space<hbm>> -> memref<16x1024xf32, #tpu.memory_space<hbm>>
    tpu.wait_dma2 semaphore(%arg18 : memref<!tpu.dma_semaphore, #tpu.memory_space<semaphore_mem>>) src(%arg6 : memref<16x1024xf32, #tpu.memory_space<vmem>>) dst(%dma_wait3A_978 : memref<16x1024xf32, #tpu.memory_space<hbm>>)
    %add3A_979 = arith.constant 0 : i32
    %add3A_980 = arith.addi %mul3A_36, %add3A_979 : i32
    %dma_start3A_981 = arith.constant 24 : i32
    %dma_start3A_982 = tpu.memref_slice %arg5[%dma_start3A_981, %add3A_980] : memref<26x128xi32, #tpu.memory_space<vmem>> -> memref<1x16xi32, #tpu.memory_space<vmem>>
    %dma_start3A_983 = tpu.memref_squeeze %dma_start3A_982 : memref<1x16xi32, #tpu.memory_space<vmem>> -> memref<16xi32, #tpu.memory_space<vmem>>
    %dma_start3A_984 = arith.constant 0 : i32
    %dma_start3A_985 = arith.constant 0 : i32
    %dma_start3A_986 = tpu.memref_slice %arg2[%dma_start3A_984, %dma_start3A_985] : memref<26000x1024xf32, #tpu.memory_space<hbm>> -> memref<26000x1024xf32, #tpu.memory_space<hbm>>
    tpu.enqueue_indirect_dma source(%dma_start3A_986 : memref<26000x1024xf32, #tpu.memory_space<hbm>>) target(%arg6 : memref<16x1024xf32, #tpu.memory_space<vmem>>) offsets(%dma_start3A_983 : memref<16xi32, #tpu.memory_space<vmem>>) semaphore(%arg12 : memref<!tpu.dma_semaphore, #tpu.memory_space<semaphore_mem>>)
    %dma_wait3A_987 = arith.constant 0 : i32
    %dma_wait3A_988 = arith.constant 0 : i32
    %dma_wait3A_989 = tpu.memref_slice %arg4[%dma_wait3A_987, %dma_wait3A_988] : memref<26624x1024xf32, #tpu.memory_space<hbm>> -> memref<16x1024xf32, #tpu.memory_space<hbm>>
    %dma_wait3A_990 = arith.constant 0 : i32
    %dma_wait3A_991 = arith.constant 0 : i32
    %dma_wait3A_992 = tpu.memref_slice %arg4[%dma_wait3A_990, %dma_wait3A_991] : memref<26624x1024xf32, #tpu.memory_space<hbm>> -> memref<16x1024xf32, #tpu.memory_space<hbm>>
    tpu.wait_dma2 semaphore(%arg16 : memref<!tpu.dma_semaphore, #tpu.memory_space<semaphore_mem>>) src(%dma_wait3A_992 : memref<16x1024xf32, #tpu.memory_space<hbm>>) dst(%arg10 : memref<16x1024xf32, #tpu.memory_space<vmem>>)
    %add3A_993 = arith.constant 23552 : i32
    %add3A_994 = arith.addi %add3A_993, %mul3A_2 : i32
    %add3A_995 = arith.constant 0 : i32
    %add3A_996 = arith.addi %add3A_994, %add3A_995 : i32
    %dma_start3A_997 = arith.constant 0 : i32
    %dma_start3A_998 = tpu.memref_slice %arg4[%add3A_996, %dma_start3A_997] : memref<26624x1024xf32, #tpu.memory_space<hbm>> -> memref<16x1024xf32, #tpu.memory_space<hbm>>
    %dma_start3A_999 = arith.constant 0 : i32
    %dma_start3A_1000 = tpu.memref_slice %arg4[%add3A_996, %dma_start3A_999] : memref<26624x1024xf32, #tpu.memory_space<hbm>> -> memref<16x1024xf32, #tpu.memory_space<hbm>>
    tpu.enqueue_dma source(%arg10 : memref<16x1024xf32, #tpu.memory_space<vmem>>) target(%dma_start3A_1000 : memref<16x1024xf32, #tpu.memory_space<hbm>>) target_semaphore(%arg22 : memref<!tpu.dma_semaphore, #tpu.memory_space<semaphore_mem>>)
    %dma_wait3A_1001 = arith.constant 0 : i32
    %dma_wait3A_1002 = arith.constant 0 : i32
    %dma_wait3A_1003 = tpu.memref_slice %arg4[%dma_wait3A_1001, %dma_wait3A_1002] : memref<26624x1024xf32, #tpu.memory_space<hbm>> -> memref<16x1024xf32, #tpu.memory_space<hbm>>
    %dma_wait3A_1004 = arith.constant 0 : i32
    %dma_wait3A_1005 = arith.constant 0 : i32
    %dma_wait3A_1006 = tpu.memref_slice %arg4[%dma_wait3A_1004, %dma_wait3A_1005] : memref<26624x1024xf32, #tpu.memory_space<hbm>> -> memref<16x1024xf32, #tpu.memory_space<hbm>>
    tpu.wait_dma2 semaphore(%arg19 : memref<!tpu.dma_semaphore, #tpu.memory_space<semaphore_mem>>) src(%arg7 : memref<16x1024xf32, #tpu.memory_space<vmem>>) dst(%dma_wait3A_1006 : memref<16x1024xf32, #tpu.memory_space<hbm>>)
    %add3A_1007 = arith.constant 16 : i32
    %add3A_1008 = arith.addi %mul3A_36, %add3A_1007 : i32
    %dma_start3A_1009 = arith.constant 24 : i32
    %dma_start3A_1010 = tpu.memref_slice %arg5[%dma_start3A_1009, %add3A_1008] : memref<26x128xi32, #tpu.memory_space<vmem>> -> memref<1x16xi32, #tpu.memory_space<vmem>>
    %dma_start3A_1011 = tpu.memref_squeeze %dma_start3A_1010 : memref<1x16xi32, #tpu.memory_space<vmem>> -> memref<16xi32, #tpu.memory_space<vmem>>
    %dma_start3A_1012 = arith.constant 0 : i32
    %dma_start3A_1013 = arith.constant 0 : i32
    %dma_start3A_1014 = tpu.memref_slice %arg2[%dma_start3A_1012, %dma_start3A_1013] : memref<26000x1024xf32, #tpu.memory_space<hbm>> -> memref<26000x1024xf32, #tpu.memory_space<hbm>>
    tpu.enqueue_indirect_dma source(%dma_start3A_1014 : memref<26000x1024xf32, #tpu.memory_space<hbm>>) target(%arg7 : memref<16x1024xf32, #tpu.memory_space<vmem>>) offsets(%dma_start3A_1011 : memref<16xi32, #tpu.memory_space<vmem>>) semaphore(%arg13 : memref<!tpu.dma_semaphore, #tpu.memory_space<semaphore_mem>>)
    %dma_wait3A_1015 = arith.constant 0 : i32
    %dma_wait3A_1016 = arith.constant 0 : i32
    %dma_wait3A_1017 = tpu.memref_slice %arg4[%dma_wait3A_1015, %dma_wait3A_1016] : memref<26624x1024xf32, #tpu.memory_space<hbm>> -> memref<16x1024xf32, #tpu.memory_space<hbm>>
    %dma_wait3A_1018 = arith.constant 0 : i32
    %dma_wait3A_1019 = arith.constant 0 : i32
    %dma_wait3A_1020 = tpu.memref_slice %arg4[%dma_wait3A_1018, %dma_wait3A_1019] : memref<26624x1024xf32, #tpu.memory_space<hbm>> -> memref<16x1024xf32, #tpu.memory_space<hbm>>
    tpu.wait_dma2 semaphore(%arg17 : memref<!tpu.dma_semaphore, #tpu.memory_space<semaphore_mem>>) src(%dma_wait3A_1020 : memref<16x1024xf32, #tpu.memory_space<hbm>>) dst(%arg11 : memref<16x1024xf32, #tpu.memory_space<vmem>>)
    %add3A_1021 = arith.constant 23552 : i32
    %add3A_1022 = arith.addi %add3A_1021, %mul3A_2 : i32
    %add3A_1023 = arith.constant 16 : i32
    %add3A_1024 = arith.addi %add3A_1022, %add3A_1023 : i32
    %dma_start3A_1025 = arith.constant 0 : i32
    %dma_start3A_1026 = tpu.memref_slice %arg4[%add3A_1024, %dma_start3A_1025] : memref<26624x1024xf32, #tpu.memory_space<hbm>> -> memref<16x1024xf32, #tpu.memory_space<hbm>>
    %dma_start3A_1027 = arith.constant 0 : i32
    %dma_start3A_1028 = tpu.memref_slice %arg4[%add3A_1024, %dma_start3A_1027] : memref<26624x1024xf32, #tpu.memory_space<hbm>> -> memref<16x1024xf32, #tpu.memory_space<hbm>>
    tpu.enqueue_dma source(%arg11 : memref<16x1024xf32, #tpu.memory_space<vmem>>) target(%dma_start3A_1028 : memref<16x1024xf32, #tpu.memory_space<hbm>>) target_semaphore(%arg23 : memref<!tpu.dma_semaphore, #tpu.memory_space<semaphore_mem>>)
    %dma_wait3A_1029 = arith.constant 0 : i32
    %dma_wait3A_1030 = arith.constant 0 : i32
    %dma_wait3A_1031 = tpu.memref_slice %arg4[%dma_wait3A_1029, %dma_wait3A_1030] : memref<26624x1024xf32, #tpu.memory_space<hbm>> -> memref<16x1024xf32, #tpu.memory_space<hbm>>
    %dma_wait3A_1032 = arith.constant 0 : i32
    %dma_wait3A_1033 = arith.constant 0 : i32
    %dma_wait3A_1034 = tpu.memref_slice %arg4[%dma_wait3A_1032, %dma_wait3A_1033] : memref<26624x1024xf32, #tpu.memory_space<hbm>> -> memref<16x1024xf32, #tpu.memory_space<hbm>>
    tpu.wait_dma2 semaphore(%arg20 : memref<!tpu.dma_semaphore, #tpu.memory_space<semaphore_mem>>) src(%arg8 : memref<16x1024xf32, #tpu.memory_space<vmem>>) dst(%dma_wait3A_1034 : memref<16x1024xf32, #tpu.memory_space<hbm>>)
    %add3A_1035 = arith.constant 0 : i32
    %add3A_1036 = arith.addi %mul3A_36, %add3A_1035 : i32
    %dma_start3A_1037 = arith.constant 25 : i32
    %dma_start3A_1038 = tpu.memref_slice %arg5[%dma_start3A_1037, %add3A_1036] : memref<26x128xi32, #tpu.memory_space<vmem>> -> memref<1x16xi32, #tpu.memory_space<vmem>>
    %dma_start3A_1039 = tpu.memref_squeeze %dma_start3A_1038 : memref<1x16xi32, #tpu.memory_space<vmem>> -> memref<16xi32, #tpu.memory_space<vmem>>
    %dma_start3A_1040 = arith.constant 0 : i32
    %dma_start3A_1041 = arith.constant 0 : i32
    %dma_start3A_1042 = tpu.memref_slice %arg2[%dma_start3A_1040, %dma_start3A_1041] : memref<26000x1024xf32, #tpu.memory_space<hbm>> -> memref<26000x1024xf32, #tpu.memory_space<hbm>>
    tpu.enqueue_indirect_dma source(%dma_start3A_1042 : memref<26000x1024xf32, #tpu.memory_space<hbm>>) target(%arg8 : memref<16x1024xf32, #tpu.memory_space<vmem>>) offsets(%dma_start3A_1039 : memref<16xi32, #tpu.memory_space<vmem>>) semaphore(%arg14 : memref<!tpu.dma_semaphore, #tpu.memory_space<semaphore_mem>>)
    %dma_wait3A_1043 = arith.constant 0 : i32
    %dma_wait3A_1044 = arith.constant 0 : i32
    %dma_wait3A_1045 = tpu.memref_slice %arg4[%dma_wait3A_1043, %dma_wait3A_1044] : memref<26624x1024xf32, #tpu.memory_space<hbm>> -> memref<16x1024xf32, #tpu.memory_space<hbm>>
    %dma_wait3A_1046 = arith.constant 0 : i32
    %dma_wait3A_1047 = arith.constant 0 : i32
    %dma_wait3A_1048 = tpu.memref_slice %arg4[%dma_wait3A_1046, %dma_wait3A_1047] : memref<26624x1024xf32, #tpu.memory_space<hbm>> -> memref<16x1024xf32, #tpu.memory_space<hbm>>
    tpu.wait_dma2 semaphore(%arg12 : memref<!tpu.dma_semaphore, #tpu.memory_space<semaphore_mem>>) src(%dma_wait3A_1048 : memref<16x1024xf32, #tpu.memory_space<hbm>>) dst(%arg6 : memref<16x1024xf32, #tpu.memory_space<vmem>>)
    %add3A_1049 = arith.constant 24576 : i32
    %add3A_1050 = arith.addi %add3A_1049, %mul3A_2 : i32
    %add3A_1051 = arith.constant 0 : i32
    %add3A_1052 = arith.addi %add3A_1050, %add3A_1051 : i32
    %dma_start3A_1053 = arith.constant 0 : i32
    %dma_start3A_1054 = tpu.memref_slice %arg4[%add3A_1052, %dma_start3A_1053] : memref<26624x1024xf32, #tpu.memory_space<hbm>> -> memref<16x1024xf32, #tpu.memory_space<hbm>>
    %dma_start3A_1055 = arith.constant 0 : i32
    %dma_start3A_1056 = tpu.memref_slice %arg4[%add3A_1052, %dma_start3A_1055] : memref<26624x1024xf32, #tpu.memory_space<hbm>> -> memref<16x1024xf32, #tpu.memory_space<hbm>>
    tpu.enqueue_dma source(%arg6 : memref<16x1024xf32, #tpu.memory_space<vmem>>) target(%dma_start3A_1056 : memref<16x1024xf32, #tpu.memory_space<hbm>>) target_semaphore(%arg18 : memref<!tpu.dma_semaphore, #tpu.memory_space<semaphore_mem>>)
    %dma_wait3A_1057 = arith.constant 0 : i32
    %dma_wait3A_1058 = arith.constant 0 : i32
    %dma_wait3A_1059 = tpu.memref_slice %arg4[%dma_wait3A_1057, %dma_wait3A_1058] : memref<26624x1024xf32, #tpu.memory_space<hbm>> -> memref<16x1024xf32, #tpu.memory_space<hbm>>
    %dma_wait3A_1060 = arith.constant 0 : i32
    %dma_wait3A_1061 = arith.constant 0 : i32
    %dma_wait3A_1062 = tpu.memref_slice %arg4[%dma_wait3A_1060, %dma_wait3A_1061] : memref<26624x1024xf32, #tpu.memory_space<hbm>> -> memref<16x1024xf32, #tpu.memory_space<hbm>>
    tpu.wait_dma2 semaphore(%arg21 : memref<!tpu.dma_semaphore, #tpu.memory_space<semaphore_mem>>) src(%arg9 : memref<16x1024xf32, #tpu.memory_space<vmem>>) dst(%dma_wait3A_1062 : memref<16x1024xf32, #tpu.memory_space<hbm>>)
    %add3A_1063 = arith.constant 16 : i32
    %add3A_1064 = arith.addi %mul3A_36, %add3A_1063 : i32
    %dma_start3A_1065 = arith.constant 25 : i32
    %dma_start3A_1066 = tpu.memref_slice %arg5[%dma_start3A_1065, %add3A_1064] : memref<26x128xi32, #tpu.memory_space<vmem>> -> memref<1x16xi32, #tpu.memory_space<vmem>>
    %dma_start3A_1067 = tpu.memref_squeeze %dma_start3A_1066 : memref<1x16xi32, #tpu.memory_space<vmem>> -> memref<16xi32, #tpu.memory_space<vmem>>
    %dma_start3A_1068 = arith.constant 0 : i32
    %dma_start3A_1069 = arith.constant 0 : i32
    %dma_start3A_1070 = tpu.memref_slice %arg2[%dma_start3A_1068, %dma_start3A_1069] : memref<26000x1024xf32, #tpu.memory_space<hbm>> -> memref<26000x1024xf32, #tpu.memory_space<hbm>>
    tpu.enqueue_indirect_dma source(%dma_start3A_1070 : memref<26000x1024xf32, #tpu.memory_space<hbm>>) target(%arg9 : memref<16x1024xf32, #tpu.memory_space<vmem>>) offsets(%dma_start3A_1067 : memref<16xi32, #tpu.memory_space<vmem>>) semaphore(%arg15 : memref<!tpu.dma_semaphore, #tpu.memory_space<semaphore_mem>>)
    %dma_wait3A_1071 = arith.constant 0 : i32
    %dma_wait3A_1072 = arith.constant 0 : i32
    %dma_wait3A_1073 = tpu.memref_slice %arg4[%dma_wait3A_1071, %dma_wait3A_1072] : memref<26624x1024xf32, #tpu.memory_space<hbm>> -> memref<16x1024xf32, #tpu.memory_space<hbm>>
    %dma_wait3A_1074 = arith.constant 0 : i32
    %dma_wait3A_1075 = arith.constant 0 : i32
    %dma_wait3A_1076 = tpu.memref_slice %arg4[%dma_wait3A_1074, %dma_wait3A_1075] : memref<26624x1024xf32, #tpu.memory_space<hbm>> -> memref<16x1024xf32, #tpu.memory_space<hbm>>
    tpu.wait_dma2 semaphore(%arg13 : memref<!tpu.dma_semaphore, #tpu.memory_space<semaphore_mem>>) src(%dma_wait3A_1076 : memref<16x1024xf32, #tpu.memory_space<hbm>>) dst(%arg7 : memref<16x1024xf32, #tpu.memory_space<vmem>>)
    %add3A_1077 = arith.constant 24576 : i32
    %add3A_1078 = arith.addi %add3A_1077, %mul3A_2 : i32
    %add3A_1079 = arith.constant 16 : i32
    %add3A_1080 = arith.addi %add3A_1078, %add3A_1079 : i32
    %dma_start3A_1081 = arith.constant 0 : i32
    %dma_start3A_1082 = tpu.memref_slice %arg4[%add3A_1080, %dma_start3A_1081] : memref<26624x1024xf32, #tpu.memory_space<hbm>> -> memref<16x1024xf32, #tpu.memory_space<hbm>>
    %dma_start3A_1083 = arith.constant 0 : i32
    %dma_start3A_1084 = tpu.memref_slice %arg4[%add3A_1080, %dma_start3A_1083] : memref<26624x1024xf32, #tpu.memory_space<hbm>> -> memref<16x1024xf32, #tpu.memory_space<hbm>>
    tpu.enqueue_dma source(%arg7 : memref<16x1024xf32, #tpu.memory_space<vmem>>) target(%dma_start3A_1084 : memref<16x1024xf32, #tpu.memory_space<hbm>>) target_semaphore(%arg19 : memref<!tpu.dma_semaphore, #tpu.memory_space<semaphore_mem>>)
    %dma_wait3A_1085 = arith.constant 0 : i32
    %dma_wait3A_1086 = arith.constant 0 : i32
    %dma_wait3A_1087 = tpu.memref_slice %arg4[%dma_wait3A_1085, %dma_wait3A_1086] : memref<26624x1024xf32, #tpu.memory_space<hbm>> -> memref<16x1024xf32, #tpu.memory_space<hbm>>
    %dma_wait3A_1088 = arith.constant 0 : i32
    %dma_wait3A_1089 = arith.constant 0 : i32
    %dma_wait3A_1090 = tpu.memref_slice %arg4[%dma_wait3A_1088, %dma_wait3A_1089] : memref<26624x1024xf32, #tpu.memory_space<hbm>> -> memref<16x1024xf32, #tpu.memory_space<hbm>>
    tpu.wait_dma2 semaphore(%arg14 : memref<!tpu.dma_semaphore, #tpu.memory_space<semaphore_mem>>) src(%dma_wait3A_1090 : memref<16x1024xf32, #tpu.memory_space<hbm>>) dst(%arg8 : memref<16x1024xf32, #tpu.memory_space<vmem>>)
    %add3A_1091 = arith.constant 25600 : i32
    %add3A_1092 = arith.addi %add3A_1091, %mul3A_2 : i32
    %add3A_1093 = arith.constant 0 : i32
    %add3A_1094 = arith.addi %add3A_1092, %add3A_1093 : i32
    %dma_start3A_1095 = arith.constant 0 : i32
    %dma_start3A_1096 = tpu.memref_slice %arg4[%add3A_1094, %dma_start3A_1095] : memref<26624x1024xf32, #tpu.memory_space<hbm>> -> memref<16x1024xf32, #tpu.memory_space<hbm>>
    %dma_start3A_1097 = arith.constant 0 : i32
    %dma_start3A_1098 = tpu.memref_slice %arg4[%add3A_1094, %dma_start3A_1097] : memref<26624x1024xf32, #tpu.memory_space<hbm>> -> memref<16x1024xf32, #tpu.memory_space<hbm>>
    tpu.enqueue_dma source(%arg8 : memref<16x1024xf32, #tpu.memory_space<vmem>>) target(%dma_start3A_1098 : memref<16x1024xf32, #tpu.memory_space<hbm>>) target_semaphore(%arg20 : memref<!tpu.dma_semaphore, #tpu.memory_space<semaphore_mem>>)
    %dma_wait3A_1099 = arith.constant 0 : i32
    %dma_wait3A_1100 = arith.constant 0 : i32
    %dma_wait3A_1101 = tpu.memref_slice %arg4[%dma_wait3A_1099, %dma_wait3A_1100] : memref<26624x1024xf32, #tpu.memory_space<hbm>> -> memref<16x1024xf32, #tpu.memory_space<hbm>>
    %dma_wait3A_1102 = arith.constant 0 : i32
    %dma_wait3A_1103 = arith.constant 0 : i32
    %dma_wait3A_1104 = tpu.memref_slice %arg4[%dma_wait3A_1102, %dma_wait3A_1103] : memref<26624x1024xf32, #tpu.memory_space<hbm>> -> memref<16x1024xf32, #tpu.memory_space<hbm>>
    tpu.wait_dma2 semaphore(%arg15 : memref<!tpu.dma_semaphore, #tpu.memory_space<semaphore_mem>>) src(%dma_wait3A_1104 : memref<16x1024xf32, #tpu.memory_space<hbm>>) dst(%arg9 : memref<16x1024xf32, #tpu.memory_space<vmem>>)
    %add3A_1105 = arith.constant 25600 : i32
    %add3A_1106 = arith.addi %add3A_1105, %mul3A_2 : i32
    %add3A_1107 = arith.constant 16 : i32
    %add3A_1108 = arith.addi %add3A_1106, %add3A_1107 : i32
    %dma_start3A_1109 = arith.constant 0 : i32
    %dma_start3A_1110 = tpu.memref_slice %arg4[%add3A_1108, %dma_start3A_1109] : memref<26624x1024xf32, #tpu.memory_space<hbm>> -> memref<16x1024xf32, #tpu.memory_space<hbm>>
    %dma_start3A_1111 = arith.constant 0 : i32
    %dma_start3A_1112 = tpu.memref_slice %arg4[%add3A_1108, %dma_start3A_1111] : memref<26624x1024xf32, #tpu.memory_space<hbm>> -> memref<16x1024xf32, #tpu.memory_space<hbm>>
    tpu.enqueue_dma source(%arg9 : memref<16x1024xf32, #tpu.memory_space<vmem>>) target(%dma_start3A_1112 : memref<16x1024xf32, #tpu.memory_space<hbm>>) target_semaphore(%arg21 : memref<!tpu.dma_semaphore, #tpu.memory_space<semaphore_mem>>)
    %dma_wait3A_1113 = arith.constant 0 : i32
    %dma_wait3A_1114 = arith.constant 0 : i32
    %dma_wait3A_1115 = tpu.memref_slice %arg4[%dma_wait3A_1113, %dma_wait3A_1114] : memref<26624x1024xf32, #tpu.memory_space<hbm>> -> memref<16x1024xf32, #tpu.memory_space<hbm>>
    %dma_wait3A_1116 = arith.constant 0 : i32
    %dma_wait3A_1117 = arith.constant 0 : i32
    %dma_wait3A_1118 = tpu.memref_slice %arg4[%dma_wait3A_1116, %dma_wait3A_1117] : memref<26624x1024xf32, #tpu.memory_space<hbm>> -> memref<16x1024xf32, #tpu.memory_space<hbm>>
    tpu.wait_dma2 semaphore(%arg18 : memref<!tpu.dma_semaphore, #tpu.memory_space<semaphore_mem>>) src(%arg6 : memref<16x1024xf32, #tpu.memory_space<vmem>>) dst(%dma_wait3A_1118 : memref<16x1024xf32, #tpu.memory_space<hbm>>)
    %dma_wait3A_1119 = arith.constant 0 : i32
    %dma_wait3A_1120 = arith.constant 0 : i32
    %dma_wait3A_1121 = tpu.memref_slice %arg4[%dma_wait3A_1119, %dma_wait3A_1120] : memref<26624x1024xf32, #tpu.memory_space<hbm>> -> memref<16x1024xf32, #tpu.memory_space<hbm>>
    %dma_wait3A_1122 = arith.constant 0 : i32
    %dma_wait3A_1123 = arith.constant 0 : i32
    %dma_wait3A_1124 = tpu.memref_slice %arg4[%dma_wait3A_1122, %dma_wait3A_1123] : memref<26624x1024xf32, #tpu.memory_space<hbm>> -> memref<16x1024xf32, #tpu.memory_space<hbm>>
    tpu.wait_dma2 semaphore(%arg19 : memref<!tpu.dma_semaphore, #tpu.memory_space<semaphore_mem>>) src(%arg7 : memref<16x1024xf32, #tpu.memory_space<vmem>>) dst(%dma_wait3A_1124 : memref<16x1024xf32, #tpu.memory_space<hbm>>)
    %dma_wait3A_1125 = arith.constant 0 : i32
    %dma_wait3A_1126 = arith.constant 0 : i32
    %dma_wait3A_1127 = tpu.memref_slice %arg4[%dma_wait3A_1125, %dma_wait3A_1126] : memref<26624x1024xf32, #tpu.memory_space<hbm>> -> memref<16x1024xf32, #tpu.memory_space<hbm>>
    %dma_wait3A_1128 = arith.constant 0 : i32
    %dma_wait3A_1129 = arith.constant 0 : i32
    %dma_wait3A_1130 = tpu.memref_slice %arg4[%dma_wait3A_1128, %dma_wait3A_1129] : memref<26624x1024xf32, #tpu.memory_space<hbm>> -> memref<16x1024xf32, #tpu.memory_space<hbm>>
    tpu.wait_dma2 semaphore(%arg20 : memref<!tpu.dma_semaphore, #tpu.memory_space<semaphore_mem>>) src(%arg8 : memref<16x1024xf32, #tpu.memory_space<vmem>>) dst(%dma_wait3A_1130 : memref<16x1024xf32, #tpu.memory_space<hbm>>)
    %dma_wait3A_1131 = arith.constant 0 : i32
    %dma_wait3A_1132 = arith.constant 0 : i32
    %dma_wait3A_1133 = tpu.memref_slice %arg4[%dma_wait3A_1131, %dma_wait3A_1132] : memref<26624x1024xf32, #tpu.memory_space<hbm>> -> memref<16x1024xf32, #tpu.memory_space<hbm>>
    %dma_wait3A_1134 = arith.constant 0 : i32
    %dma_wait3A_1135 = arith.constant 0 : i32
    %dma_wait3A_1136 = tpu.memref_slice %arg4[%dma_wait3A_1134, %dma_wait3A_1135] : memref<26624x1024xf32, #tpu.memory_space<hbm>> -> memref<16x1024xf32, #tpu.memory_space<hbm>>
    tpu.wait_dma2 semaphore(%arg21 : memref<!tpu.dma_semaphore, #tpu.memory_space<semaphore_mem>>) src(%arg9 : memref<16x1024xf32, #tpu.memory_space<vmem>>) dst(%dma_wait3A_1136 : memref<16x1024xf32, #tpu.memory_space<hbm>>)
    %dma_wait3A_1137 = arith.constant 0 : i32
    %dma_wait3A_1138 = arith.constant 0 : i32
    %dma_wait3A_1139 = tpu.memref_slice %arg4[%dma_wait3A_1137, %dma_wait3A_1138] : memref<26624x1024xf32, #tpu.memory_space<hbm>> -> memref<16x1024xf32, #tpu.memory_space<hbm>>
    %dma_wait3A_1140 = arith.constant 0 : i32
    %dma_wait3A_1141 = arith.constant 0 : i32
    %dma_wait3A_1142 = tpu.memref_slice %arg4[%dma_wait3A_1140, %dma_wait3A_1141] : memref<26624x1024xf32, #tpu.memory_space<hbm>> -> memref<16x1024xf32, #tpu.memory_space<hbm>>
    tpu.wait_dma2 semaphore(%arg22 : memref<!tpu.dma_semaphore, #tpu.memory_space<semaphore_mem>>) src(%arg10 : memref<16x1024xf32, #tpu.memory_space<vmem>>) dst(%dma_wait3A_1142 : memref<16x1024xf32, #tpu.memory_space<hbm>>)
    %dma_wait3A_1143 = arith.constant 0 : i32
    %dma_wait3A_1144 = arith.constant 0 : i32
    %dma_wait3A_1145 = tpu.memref_slice %arg4[%dma_wait3A_1143, %dma_wait3A_1144] : memref<26624x1024xf32, #tpu.memory_space<hbm>> -> memref<16x1024xf32, #tpu.memory_space<hbm>>
    %dma_wait3A_1146 = arith.constant 0 : i32
    %dma_wait3A_1147 = arith.constant 0 : i32
    %dma_wait3A_1148 = tpu.memref_slice %arg4[%dma_wait3A_1146, %dma_wait3A_1147] : memref<26624x1024xf32, #tpu.memory_space<hbm>> -> memref<16x1024xf32, #tpu.memory_space<hbm>>
    tpu.wait_dma2 semaphore(%arg23 : memref<!tpu.dma_semaphore, #tpu.memory_space<semaphore_mem>>) src(%arg11 : memref<16x1024xf32, #tpu.memory_space<vmem>>) dst(%dma_wait3A_1148 : memref<16x1024xf32, #tpu.memory_space<hbm>>)
    return
  }
}

</mosaic_0001>

<sc_bundles>
// kernel: kernel.3.cloned.1.call-start
scs
__scs_entry_jumppad:
0x0: {  	(pc) =	sbr.rel $0x88, $3  }
0x1: {  	(tag) =	ssettag $0x0;
	lr =	simm.s32 $0x1  }
0x2: {  	[smem:$0x3F9F] =	sst lr;
	_ =	strace $0xD0000000  }
0x3: {  	_ = 	snop  }
0x4: {  	_ = 	snop  }
0x5: {  	_ = 	snop  }
0x6: {  	_ = 	snop  }
0x7: {  	_ = 	snop  }
__scs_overlays_trampoline_lowered:
0x8: {  	[smem:$0x3FAE] =	sst s0  }
0x9: {  	[smem:$0x3FAF] =	sst s1  }
0xa: {  	[smem:$0x3FB0] =	sst s2  }
0xb: {  	[smem:$0x3FB1] =	sst s3  }
0xc: {  	[smem:$0x3FB2] =	sst s4  }
0xd: {  	[smem:$0x3FB3] =	sst s5  }
0xe: {  	[smem:$0x3FB4] =	sst s6  }
0xf: {  	[smem:$0x3FB5] =	sst s7  }
0x10: {  	[smem:$0x3FB6] =	sst s8  }
0x11: {  	[smem:$0x3FB7] =	sst s9;
	s0 =	simm.s32 @!p0 $0x0  }
0x12: {  	s1 =	sld [smem:$0x3F9D];
	s0 =	simm.s32 @p0 $0x1  }
0x13: {  	[smem:$0x3FB8] =	sst s0;
	s0 =	simm.s32 @!p1 $0x0  }
0x14: {  	s2 =	sld [smem:$0x3F9C];
	s0 =	simm.s32 @p1 $0x1  }
0x15: {  	[smem:$0x3FB9] =	sst s0;
	s0 =	simm.s32 @!p2 $0x0  }
0x16: {  	s3 =	sld [smem:$0x3FDB];
	s0 =	simm.s32 @p2 $0x1  }
0x17: {  	s4 =	simm.s32 $0x1BF5;
	[smem:$0x3FBB] =	sst s0  }
0x18: {  	s0 =	sld [smem:$0x3F9E];
	_ =	swait.ge [sflag:s4], $0x0  }
0x19: {  	s7 =	sld [smem:$0x3F9F]  }
0x1a: {  	s8 =	sadd.s32 $0xFFFFE003, lr  }
0x1b: {  	s9 =	sadd.s32 $0xFFFFFEF7, lr;
	s5 =	simm.s32 $0xFFFFFFFF;
	p2 =	slt.u32 s8, $0xFFFFF086  }
0x1c: {  	p1 =	slt.u32 s9, $0xF7A;
	s5 =	simm.s32 @!p2 $0x0  }
0x1d: {  	s5 =	simm.s32 @p1 $0x1;
	p0 =	seq.s32 s7, s2  }
0x1e: {  	s7 =	smul.u32 @!p0 $0xF7A, s2;
	p2 =	seq.s32 @!p0 s5, $0x0  }
0x1f: {  	s9 =	smul.u32 $0xF7A, s1;
	s8 =	simm.s32 @!p0 $0x1BF5;
	p2 =	por !p2, p0  }
0x20: {  	[sflag:s8] =	ssyncset.s32 @!p0 $0xFFFFF086;
	s6 =	sadd.s32 @!p0 s3, s7;
	s7 =	simm.s32 @!p0 $0x108  }
0x21: {  	s3 =	sadd.s32 s3, s9;
	s6 =	sadd.s32 @!p0 $0x88, s6;
	s7 =	simm.s32 @p2 $0x1082  }
0x22: {  	[simem:s7], [sflag:s8] =	dma.local @!p0 [hbm:s6], $0xF7A  }
0x23: {  	s9 =	sor.u32 $0xD0000000, s2;
	s6 =	simm.s32 $0x108;
	_ =	swait.ge @!p0 [sflag:s8], $0x0  }
0x24: {  	s3 =	sadd.s32 $0x88, s3;
	s6 =	simm.s32 @!p1 $0x1082;
	[sflag:s4] =	ssyncset.s32 $0xFFFFF086  }
0x25: {  	[simem:s6], [sflag:s4] =	dma.local [hbm:s3], $0xF7A  }
0x26: {  	[smem:$0x3F9F] =	sst s1;
	(tag) =	ssettag s2;
	_ =	strace s9  }
0x27: {  	s1 =	sld [smem:$0x3FAF]  }
0x28: {  	s2 =	sld [smem:$0x3FB0]  }
0x29: {  	s4 =	sld [smem:$0x3FB2]  }
0x2a: {  	p0 =	seq.s32 s5, $0x0;
	s5 =	sld [smem:$0x3FB3]  }
0x2b: {  	s6 =	sld [smem:$0x3FB4]  }
0x2c: {  	s7 =	sld [smem:$0x3FB5]  }
0x2d: {  	s3 =	simm.s32 $0x108;
	s8 =	sld [smem:$0x3FB6]  }
0x2e: {  	s3 =	simm.s32 @!p0 $0x1082;
	s9 =	sld [smem:$0x3FB7]  }
0x2f: {  	lr =	sadd.s32 s0, s3;
	s0 =	sld [smem:$0x3FAE]  }
0x30: {  	s3 =	sld [smem:$0x3FB1]  }
0x31: {  	[smem:$0x3FBA] =	sst s10  }
0x32: {  	s10 =	sld [smem:$0x3FB8];
	_ =	sdelay $0x3  }
0x33: {  	p0 =	seq.s32 s10, $0x1;
	s10 =	sld [smem:$0x3FBA];
	_ =	sdelay $0x3  }
0x34: {  	[smem:$0x3FBA] =	sst s10  }
0x35: {  	s10 =	sld [smem:$0x3FB9];
	_ =	sdelay $0x3  }
0x36: {  	p1 =	seq.s32 s10, $0x1;
	s10 =	sld [smem:$0x3FBA];
	_ =	sdelay $0x3  }
0x37: {  	[smem:$0x3FBA] =	sst s10  }
0x38: {  	s10 =	sld [smem:$0x3FBB]  }
0x39: {  	_ = 	snop;
	(pc) =	sbr.ind lr, $3  }
0x3a: {  	_ = 	snop  }
0x3b: {  	_ = 	snop  }
0x3c: {  	p2 =	seq.s32 s10, $0x1;
	s10 =	sld [smem:$0x3FBA]  }
0x3d: {  	_ =	shalt  }
0x3e: {  	_ =	shalt  }
0x3f: {  	_ =	shalt  }
0x40: {  	_ =	shalt  }
0x41: {  	_ =	shalt  }
0x42: {  	_ =	shalt  }
0x43: {  	_ =	shalt  }
0x44: {  	_ =	shalt  }
0x45: {  	_ =	shalt  }
0x46: {  	_ =	shalt  }
0x47: {  	_ =	shalt  }
0x48: {  	_ =	shalt  }
0x49: {  	_ =	shalt  }
0x4a: {  	_ =	shalt  }
0x4b: {  	_ =	shalt  }
0x4c: {  	_ =	shalt  }
0x4d: {  	_ =	shalt  }
0x4e: {  	_ =	shalt  }
0x4f: {  	_ =	shalt  }
0x50: {  	_ =	shalt  }
0x51: {  	_ =	shalt  }
0x52: {  	_ =	shalt  }
0x53: {  	_ =	shalt  }
0x54: {  	_ =	shalt  }
0x55: {  	_ =	shalt  }
0x56: {  	_ =	shalt  }
0x57: {  	_ =	shalt  }
0x58: {  	_ =	shalt  }
0x59: {  	_ =	shalt  }
0x5a: {  	_ =	shalt  }
0x5b: {  	_ =	shalt  }
0x5c: {  	_ =	shalt  }
0x5d: {  	_ =	shalt  }
0x5e: {  	_ =	shalt  }
0x5f: {  	_ =	shalt  }
0x60: {  	_ =	shalt  }
0x61: {  	_ =	shalt  }
0x62: {  	_ =	shalt  }
0x63: {  	_ =	shalt  }
0x64: {  	_ =	shalt  }
0x65: {  	_ =	shalt  }
0x66: {  	_ =	shalt  }
0x67: {  	_ =	shalt  }
0x68: {  	_ =	shalt  }
0x69: {  	_ =	shalt  }
0x6a: {  	_ =	shalt  }
0x6b: {  	_ =	shalt  }
0x6c: {  	_ =	shalt  }
0x6d: {  	_ =	shalt  }
0x6e: {  	_ =	shalt  }
0x6f: {  	_ =	shalt  }
0x70: {  	_ =	shalt  }
0x71: {  	_ =	shalt  }
0x72: {  	_ =	shalt  }
0x73: {  	_ =	shalt  }
0x74: {  	_ =	shalt  }
0x75: {  	_ =	shalt  }
0x76: {  	_ =	shalt  }
0x77: {  	_ =	shalt  }
0x78: {  	_ =	shalt  }
0x79: {  	_ =	shalt  }
0x7a: {  	_ =	shalt  }
0x7b: {  	_ =	shalt  }
0x7c: {  	_ =	shalt  }
0x7d: {  	_ =	shalt  }
0x7e: {  	_ =	shalt  }
0x7f: {  	_ =	shalt  }
0x80: {  	_ =	shalt  }
0x81: {  	_ =	shalt  }
0x82: {  	_ =	shalt  }
0x83: {  	_ =	shalt  }
0x84: {  	_ =	shalt  }
0x85: {  	_ =	shalt  }
0x86: {  	_ =	shalt  }
0x87: {  	_ =	shalt  }
.Lfunc_end0:
.L_simem_size_0:
called_computation_lowered:
.L_overlay_start_0:
0x88: {  	s2 =	sld [smem:$0x3FD9]  }
0x89: {  	s3 =	sld [smem:$0x3FFE];
	_ =	sdelay $0x1  }
0x8a: {  	s1 =	srdreg.scid  }
0x8b: {  	s0 =	sand.u32 $0x1, s1  }
0x8c: {  	s18 =	sshll.u32 s0, $0xA;
	s2 =	sadd.s32 s3, s2  }
0x8d: {  	s2 =	sadd.s32 s2, s18  }
0x8e: {  	[smem:$0x3FC6] =	sst s2  }
0x8f: {  	_ = 	snop  }
0x90: {  	s2 =	sld [smem:$0x3FC9]  }
0x91: {  	s19 =	sld [smem:$0x3FC8]  }
0x92: {  	s4 =	sld [smem:$0x3FD0];
	(tm) =	ssettm $0x1  }
0x93: {  	s5 =	sld [smem:$0x3FFB];
	_ =	sdelay $0x3  }
0x94: {  	_ =	strace s5  }
0x95: {  	s5 =	sld [smem:$0x3FFC];
	_ =	sdelay $0x3  }
0x96: {  	_ =	strace s5  }
0x97: {  	s5 =	sld [smem:$0x3FFD];
	_ =	sdelay $0x3  }
0x98: {  	_ =	strace s5  }
0x99: {  	_ =	strace $0x8FFFFFFF  }
0x9a: {  	s20 =	sld [smem:$0x3FDB];
	_ =	sdelay $0x1  }
0x9b: {  	s6 =	simm.s32 $_scs_section_size  }
0x9c: {  	s7 =	simm.s32 $_size__tile_overlayer_lowered;
	s8 =	simm.s32 $_tile_overlayer_lowered  }
0x9d: {  	s23 =	simm.s32 $0x1BFF;
	s22 =	sshll.u32 s8, $0x1;
	s5 =	sadd.s32 s6, s20  }
0x9e: {  	s9 =	simm.s32 $0x0;
	s21 =	sshll.u32 s7, $0x1;
	s7 =	sadd.s32 s22, s5  }
0x9f: {  	[timem:s9], [sflag:s23] =	dma.local [hbm:s7], s21  }
0xa0: {  	_ =	swait.ge [sflag:s23], s21  }
0xa1: {  	s6 =	ssub.s32 $0x0, s21;
	[sflag:s23] =	ssyncset.done $0x0  }
0xa2: {  	[sflag:s23] =	ssyncadd.s32 s6;
	_ =	sdelay $0x1  }
0xa3: {  	s24 =	simm.s32 $0x1B8B  }
0xa4: {  	_ =	swait.ge [sflag:s24], $0x1  }
0xa5: {  	[sflag:s24] =	ssyncset.done $0x0  }
0xa6: {  	s25 =	simm.s32 $0x1B8E;
	[sflag:s24] =	ssyncadd.s32 $0xFFFFFFFF  }
0xa7: {  	s26 =	simm.s32 $execute0_lowered;
	[smem:$0x3FD2] =	sst s25  }
0xa8: {  	s6 =	sshll.u32 s26, $0x1;
	_ =	strace $0x80000046;
	[dreg:$0x1] =	wrdreg $0xFFFFFFFF  }
0xa9: {  	s28 =	simm.s32 $_size_execute0_lowered;
	s5 =	sadd.s32 s5, s6;
	[dreg:$0x0] =	wrdreg $0x0  }
0xaa: {  	s6 =	sshll.u32 s28, $0x1;
	[dreg:$0x2] =	wrdreg s5  }
0xab: {  	[dreg:$0x3] =	wrdreg s6  }
0xac: {  	[dreg:$0x4] =	wrdreg $0xC0  }
0xad: {  	_ =	task [dreg:s9], $0x5FFFF  }
0xae: {  	[dreg:$0x1] =	wrdreg $0xFFFFFFFF  }
0xaf: {  	[dreg:$0x0] =	wrdreg $0x60  }
0xb0: {  	[dreg:$0x2] =	wrdreg s19  }
0xb1: {  	[dreg:$0x3] =	wrdreg s2  }
0xb2: {  	[dreg:$0x4] =	wrdreg s4  }
0xb3: {  	[dreg:$0x5] =	wrdreg $0x9  }
0xb4: {  	_ =	task.clear_ibuf [dreg:s9], $0x6FFFF;
	_ =	strace $0x90000046  }
0xb5: {  	s29 =	simm.s32 $0x9;
	_ =	strace $0x80000048  }
0xb6: {  	_ =	swait.ge [sflag:s29], $0x1  }
0xb7: {  	[sflag:s29] =	ssyncadd.s32 $0xFFFFFFFF  }
0xb8: {  	_ =	strace $0x90000048  }
0xb9: {  	_ =	sfence  }
0xba: {  	s30 =	sld [smem:$0x0];
	_ =	sdelay $0x2  }
0xbb: {  	s31 =	sshll.u32 s1, $0xD;
	s1 =	sshrl.u32 s1, $0x2  }
0xbc: {  	s3 =	sand.u32 $0x4000, s31;
	s1 =	sadd.s32 s1, s30  }
0xbd: {  	s0 =	sor.u32 s3, s0;
	s1 =	sshll.u32 s1, $0x11  }
0xbe: {  	s0 =	sor.u32 s1, s0  }
0xbf: {  	s0 =	sadd.s32 $0x8F2B, s0  }
0xc0: {  	[sflag:s0] =	ssyncadd.remote.s32 $0x1  }
0xc1: {  	_ =	sfence.sel $0xFFFF  }
0xc2: {  	[dreg:$0x0] =	wrdreg $0xFFFFFFFF;
	(pc) =	sbr.abs _section_cstart, $3  }
0xc3: {  	[dreg:$0x1] =	wrdreg $0xFFFFFFFF  }
0xc4: {  	_ =	task.clear_ibuf [dreg:s9], $0x2FFFF;
	_ =	strace $0x9FFFFFFF  }
0xc5: {  	(tm) =	ssettm $0x7FFFFFFF  }
tec
execute0_lowered:
.L_overlay_start_1:
0x0: {  	(tag) =	ssettag $0x1  }
0x1: {  	s1 =	rddreg [dreg:$0x0]  }
0x2: {  	s0 =	rddreg [dreg:$0x1]  }
0x3: {  	s2 =	rddreg [dreg:$0x2];
	s3 =	simm.s32 $0x0;
	s4 =	srdreg.scid  }
0x4: {  	s12 =	stileid.u32;
	s29 =	simm.s32 $0xD000;
	s28 =	simm.s32 $0x13800  }
0x5: {  	s30 =	simm.s32 $0x7;
	s31 =	simm.s32 $0x5;
	[smem:$0x7FF] =	sst s3  }
0x6: {  	s4 =	sand.u32 $0x1, s4;
	s5 =	sshll.u32 s12, $0x1;
	s6 =	sshll.u32 s12, $0x6  }
0x7: {  	s25 =	sadd.s32 $0x800, s2;
	s20 =	sshll.u32 s12, $0xD;
	s12 =	simm.s32 $0x9  }
0x8: {  	_ =	strace $0x80000047;
	s7 =	ssub.s32 $0x2, s4;
	s9 =	sor.u32 s4, s5  }
0x9: {  	s21 =	sand.u32 $0x380, s6;
	s19 =	sshll.u32 s4, $0x5;
	s4 =	sshll.u32 s4, $0xC  }
0xa: {  	s8 =	sshrl.u32 s7, $0x1;
	s10 =	sshll.u32 s9, $0x5;
	s11 =	sadd.s32 s0, s21  }
0xb: {  	s24 =	sshll.u32 s9, $0xC;
	s9 =	sadd.s32 $0x200, s1;
	s6 =	sor.u32 s19, s6  }
0xc: {  	s19 =	simm.s32 $0xB;
	[dreg:$0x7] =	wrdreg s11;
	s22 =	sadd.s32 $0xC00, s11  }
0xd: {  	s0 =	ssub.s32 s7, s8;
	s7 =	sadd.s32 s24, s25;
	[dreg:$0x8] =	wrdreg s22  }
0xe: {  	s5 =	sand.u32 $0x60, s10;
	s13 =	sadd.s32 s2, s24;
	[dreg:$0xb] =	wrdreg s7  }
0xf: {  	s8 =	sadd.s32 $0x100, s1;
	s23 =	sor.u32 $0x10, s5;
	[dreg:$0xa] =	wrdreg s13  }
0x10: {  	s11 =	sadd.s32 $0x300, s1;
	s26 =	sadd.s32 $0x2C0800, s13;
	[dreg:$0x9] =	wrdreg s23  }
0x11: {  	s2 =	sadd.s32 s20, s2;
	s14 =	sadd.s32 $0x20000, s13;
	[dreg:$0xc] =	wrdreg s26  }
0x12: {  	s21 =	sshll.u32 s6, $0x7;
	s15 =	sadd.s32 $0x2E0000, s13;
	[dreg:$0xd] =	wrdreg s14  }
0x13: {  	s10 =	simm.s32 $0x4;
	s16 =	sadd.s32 $0x2E0800, s13;
	[dreg:$0xe] =	wrdreg s15  }
0x14: {  	s20 =	simm.s32 $0x8;
	s17 =	sadd.s32 $0x300000, s13;
	[dreg:$0xf] =	wrdreg s16  }
0x15: {  	s18 =	sadd.s32 $0x300800, s13;
	s2 =	sadd.s32 s4, s2;
	[dreg:$0x10] =	wrdreg s17  }
0x16: {  	s22 =	sadd.s32 $0x320800, s13;
	s0 =	smax.u32 s0, $0x1;
	[dreg:$0x11] =	wrdreg s18  }
0x17: {  	s7 =	simm.s32 $0x12800;
	s4 =	simm.s32 $0x6;
	[dreg:$0x13] =	wrdreg s22  }
0x18: {  	s14 =	sadd.s32 $0x320000, s13;
	s23 =	sadd.s32 s21, s25;
	[dreg:$0x14] =	wrdreg s0  }
0x19: {  	[dreg:$0x4] =	wrdreg s2;
	s25 =	sand.u32 $0x60, s6;
	s22 =	simm.s32 $0x12000  }
0x1a: {  	s17 =	simm.s32 $0x13000;
	s0 =	simm.s32 $0x0;
	s15 =	simm.s32 $0x18800  }
0x1b: {  	[dreg:$0x12] =	wrdreg s14;
	s24 =	sadd.s32 $0x40000, s23;
	s26 =	sadd.s32 $0x20000, s23  }
0x1c: {  	v2 =	vlaneseq.u32;
	s2 =	sor.u32 $0x290, s25;
	s25 =	simm.s32 $0x11000;
	[dreg:$0x5] =	wrdreg s24  }
0x1d: {  	vm0 =	vmmov $0xffff;
	v1 =	vshrl.u32 v2, $0x3;
	s23 =	simm.s32 $0x15000;
	s14 =	simm.s32 $0xA;
	[dreg:$0x15] =	wrdreg s2  }
0x1e: {  	v0 =	vand.u32 $0x7, v2;
	v2 =	vor.u32 $0x8, v2;
	v1 =	vmul.u32 $0x8, v1;
	[dreg:$0x6] =	wrdreg s26;
	s26 =	simm.s32 $0x11800;
	s24 =	simm.s32 $0x18000  }
.LBB2_1:
0x1f: {  	[dreg:$0x16] =	wrdreg s0  }
0x20: {  	s2 =	rddreg [dreg:$0x7];
	s18 =	simm.s32 $0x400;
	s21 =	simm.s32 $0x2000  }
0x21: {  	[tilespmem:s3], [sflag:$0xD] =	stream.strided.gather [hbm4b:s2+s18], $0xC00, s21, s18, $0x38;
	[tilespmem:$0x19000] =	vst v63  }
0x22: {  	s6 =	simm.s32 $0xC00;
	s0 =	simm.s32 $0xD;
	s18 =	rddreg [dreg:$0x8]  }
0x23: {  	[tilespmem:s6], [sflag:$0xD] =	stream.linear.gather [hbm4b:s18+s3], $0x100, $0x38;
	[tilespmem:$0x19000] =	vst v63  }
0x24: {  	_ =	swait.ge [sflag:s0], $0xD00  }
0x25: {  	[sflag:s0] =	ssyncset.done $0x0  }
0x26: {  	[sflag:s0] =	ssyncadd.s32 $0xFFFFF300  }
0x27: {  	v3 =	vld [tilespmem:s5+$0x80]  }
0x28: {  	v4 =	vld [tilespmem:s5+$0x90]  }
0x29: {  	v5 =	vld [tilespmem:s5+$0x100]  }
0x2a: {  	v6 =	vld [tilespmem:s5+$0x110]  }
0x2b: {  	v7 =	vld [tilespmem:s5+$0x180]  }
0x2c: {  	v8 =	vld [tilespmem:s5+$0x190]  }
0x2d: {  	v9 =	vld [tilespmem:s5+$0x200];
	v3 =	vadd.s32 $0x3E8, v3  }
0x2e: {  	v14 =	vld [tilespmem:s5+$0x210];
	[tilespmem:s5+$0x80] =	vst v3;
	v3 =	vadd.s32 $0x3E8, v4  }
0x2f: {  	v15 =	vld [tilespmem:s5+$0x280];
	[tilespmem:s5+$0x90] =	vst v3;
	v3 =	vadd.s32 $0x7D0, v5  }
0x30: {  	v16 =	vld [tilespmem:s5+$0x290];
	[tilespmem:s5+$0x100] =	vst v3;
	v3 =	vadd.s32 $0x7D0, v6  }
0x31: {  	v17 =	vld [tilespmem:s5+$0x300];
	[tilespmem:s5+$0x110] =	vst v3;
	v3 =	vadd.s32 $0xBB8, v7  }
0x32: {  	v18 =	vld [tilespmem:s5+$0x310];
	[tilespmem:s5+$0x180] =	vst v3;
	v3 =	vadd.s32 $0xBB8, v8  }
0x33: {  	v19 =	vld [tilespmem:s5+$0x380];
	[tilespmem:s5+$0x190] =	vst v3;
	v3 =	vadd.s32 $0xFA0, v9  }
0x34: {  	v20 =	vld [tilespmem:s5+$0x390];
	[tilespmem:s5+$0x200] =	vst v3;
	v3 =	vadd.s32 $0xFA0, v14  }
0x35: {  	v21 =	vld [tilespmem:s5+$0x400];
	[tilespmem:s5+$0x210] =	vst v3;
	v3 =	vadd.s32 $0x1388, v15  }
0x36: {  	v22 =	vld [tilespmem:s5+$0x410];
	[tilespmem:s5+$0x280] =	vst v3;
	v3 =	vadd.s32 $0x1388, v16  }
0x37: {  	v23 =	vld [tilespmem:s5+$0x480];
	[tilespmem:s5+$0x290] =	vst v3;
	v3 =	vadd.s32 $0x1770, v17  }
0x38: {  	v24 =	vld [tilespmem:s5+$0x490];
	[tilespmem:s5+$0x300] =	vst v3;
	v3 =	vadd.s32 $0x1770, v18  }
0x39: {  	v25 =	vld [tilespmem:s5+$0x500];
	[tilespmem:s5+$0x310] =	vst v3;
	v3 =	vadd.s32 $0x1B58, v19  }
0x3a: {  	v26 =	vld [tilespmem:s5+$0x510];
	[tilespmem:s5+$0x380] =	vst v3;
	v3 =	vadd.s32 $0x1B58, v20  }
0x3b: {  	v27 =	vld [tilespmem:s5+$0x580];
	[tilespmem:s5+$0x390] =	vst v3;
	v3 =	vadd.s32 $0x1F40, v21  }
0x3c: {  	v28 =	vld [tilespmem:s5+$0x590];
	[tilespmem:s5+$0x400] =	vst v3;
	v3 =	vadd.s32 $0x1F40, v22  }
0x3d: {  	v29 =	vld [tilespmem:s5+$0x600];
	[tilespmem:s5+$0x410] =	vst v3;
	v3 =	vadd.s32 $0x2328, v23  }
0x3e: {  	v30 =	vld [tilespmem:s5+$0x610];
	[tilespmem:s5+$0x480] =	vst v3;
	v3 =	vadd.s32 $0x2328, v24  }
0x3f: {  	v31 =	vld [tilespmem:s5+$0x680];
	[tilespmem:s5+$0x490] =	vst v3;
	v3 =	vadd.s32 $0x2710, v25  }
0x40: {  	v32 =	vld [tilespmem:s5+$0x690];
	[tilespmem:s5+$0x500] =	vst v3;
	v3 =	vadd.s32 $0x2710, v26  }
0x41: {  	v33 =	vld [tilespmem:s5+$0x700];
	[tilespmem:s5+$0x510] =	vst v3;
	v3 =	vadd.s32 $0x2AF8, v27  }
0x42: {  	v34 =	vld [tilespmem:s5+$0x710];
	[tilespmem:s5+$0x580] =	vst v3;
	v3 =	vadd.s32 $0x2AF8, v28  }
0x43: {  	v35 =	vld [tilespmem:s5+$0x780];
	[tilespmem:s5+$0x590] =	vst v3;
	v3 =	vadd.s32 $0x2EE0, v29  }
0x44: {  	v36 =	vld [tilespmem:s5+$0x790];
	[tilespmem:s5+$0x600] =	vst v3;
	v3 =	vadd.s32 $0x2EE0, v30  }
0x45: {  	v37 =	vld [tilespmem:s5+$0x800];
	[tilespmem:s5+$0x610] =	vst v3;
	v3 =	vadd.s32 $0x32C8, v31  }
0x46: {  	v38 =	vld [tilespmem:s5+$0x810];
	[tilespmem:s5+$0x680] =	vst v3;
	v3 =	vadd.s32 $0x32C8, v32  }
0x47: {  	v39 =	vld [tilespmem:s5+$0x880];
	[tilespmem:s5+$0x690] =	vst v3;
	v3 =	vadd.s32 $0x36B0, v33  }
0x48: {  	v40 =	vld [tilespmem:s5+$0x890];
	[tilespmem:s5+$0x700] =	vst v3;
	v3 =	vadd.s32 $0x36B0, v34  }
0x49: {  	v41 =	vld [tilespmem:s5+$0x900];
	[tilespmem:s5+$0x710] =	vst v3;
	v3 =	vadd.s32 $0x3A98, v35  }
0x4a: {  	v42 =	vld [tilespmem:s5+$0x910];
	[tilespmem:s5+$0x780] =	vst v3;
	v3 =	vadd.s32 $0x3A98, v36  }
0x4b: {  	v43 =	vld [tilespmem:s5+$0x980];
	[tilespmem:s5+$0x790] =	vst v3;
	v3 =	vadd.s32 $0x3E80, v37  }
0x4c: {  	v44 =	vld [tilespmem:s5+$0x990];
	[tilespmem:s5+$0x800] =	vst v3;
	v3 =	vadd.s32 $0x3E80, v38  }
0x4d: {  	v45 =	vld [tilespmem:s5+$0xA00];
	[tilespmem:s5+$0x810] =	vst v3;
	v3 =	vadd.s32 $0x4268, v39  }
0x4e: {  	v46 =	vld [tilespmem:s5+$0xA10];
	[tilespmem:s5+$0x880] =	vst v3;
	v3 =	vadd.s32 $0x4268, v40  }
0x4f: {  	v47 =	vld [tilespmem:s5+$0xA80];
	[tilespmem:s5+$0x890] =	vst v3;
	v3 =	vadd.s32 $0x4650, v41  }
0x50: {  	v48 =	vld [tilespmem:s5+$0xA90];
	[tilespmem:s5+$0x900] =	vst v3;
	v3 =	vadd.s32 $0x4650, v42  }
0x51: {  	v49 =	vld [tilespmem:s5+$0x0];
	[tilespmem:s5+$0x910] =	vst v3;
	v3 =	vadd.s32 $0x4A38, v43  }
0x52: {  	v50 =	vld [tilespmem:s5+$0xB00];
	[tilespmem:s5+$0x980] =	vst v3;
	v3 =	vadd.s32 $0x4A38, v44  }
0x53: {  	v51 =	vld [tilespmem:s5+$0xB10];
	[tilespmem:s5+$0x990] =	vst v3;
	v3 =	vadd.s32 $0x4E20, v45  }
0x54: {  	v52 =	vld [tilespmem:s5+$0xB80];
	[tilespmem:s5+$0xA00] =	vst v3;
	v3 =	vadd.s32 $0x4E20, v46  }
0x55: {  	v53 =	vld [tilespmem:s5+$0xB90];
	[tilespmem:s5+$0xA10] =	vst v3;
	v3 =	vadd.s32 $0x5208, v47  }
0x56: {  	v54 =	vld [tilespmem:s5+$0xC00];
	v10 =	vshll.u32 v49, $0x3;
	[tilespmem:s5+$0xA80] =	vst v3;
	v3 =	vadd.s32 $0x5208, v48  }
0x57: {  	v55 =	vld [tilespmem:s5+$0xC10];
	v10 =	vand.u32 $0xFFFFFFC0, v10;
	v9 =	vand.u32 $0x7, v49;
	[tilespmem:s5+$0xA90] =	vst v3;
	v3 =	vadd.s32 $0x55F0, v50  }
0x58: {  	v56 =	vld [tilespmem:s5+$0xC80];
	v9 =	vor.u32 v9, v10;
	[tilespmem:s5+$0xB00] =	vst v3;
	v3 =	vadd.s32 $0x55F0, v51  }
0x59: {  	v57 =	vld [tilespmem:s5+$0xC90];
	v10 =	vperm.xlane v9, v0;
	[tilespmem:s5+$0xB10] =	vst v3;
	v3 =	vadd.s32 $0x59D8, v52  }
0x5a: {  	[tilespmem:s5+$0xB80] =	vst v3;
	v3 =	vadd.s32 $0x59D8, v53  }
0x5b: {  	v58 =	vadd.s32 v1, v10;
	[tilespmem:s5+$0xB90] =	vst v3;
	v3 =	vadd.s32 $0x5DC0, v54  }
0x5c: {  	[tilespmem:s5+$0xC00] =	vst v3;
	v3 =	vadd.s32 $0x5DC0, v55  }
0x5d: {  	[tilespmem:s5+$0xC10] =	vst v3;
	v3 =	vadd.s32 $0x61A8, v56  }
0x5e: {  	[tilespmem:s5+$0xC80] =	vst v3;
	v3 =	vadd.s32 $0x61A8, v57  }
0x5f: {  	s18 =	simm.s32 $0x1000;
	[tilespmem:s5+$0xC90] =	vst v3  }
0x60: {  	[tilespmem:s18], [sflag:$0x1] =	stream.indirect_vreg.gather [hbm4b:s1+s3], $0x80, v58, vm0, $0xb8;
	[tilespmem:$0x19000] =	vst v63  }
0x61: {  	s6 =	simm.s32 $0x1800;
	v3 =	vperm.xlane v9, v2  }
0x62: {  	[tilespmem:s6], [sflag:$0x1] =	stream.indirect_vreg.gather [hbm4b:s8+s3], $0x80, v58, vm0, $0xb8;
	[tilespmem:$0x19000] =	vst v63  }
0x63: {  	v3 =	vadd.s32 v1, v3  }
0x64: {  	[tilespmem:s21], [sflag:$0x1] =	stream.indirect_vreg.gather [hbm4b:s9+s3], $0x80, v58, vm0, $0xb8;
	[tilespmem:$0x19000] =	vst v63  }
0x65: {  	s13 =	simm.s32 $0x2800  }
0x66: {  	[tilespmem:s13], [sflag:$0x1] =	stream.indirect_vreg.gather [hbm4b:s11+s3], $0x80, v58, vm0, $0xb8;
	[tilespmem:$0x19000] =	vst v63  }
0x67: {  	s16 =	simm.s32 $0x3000  }
0x68: {  	[tilespmem:s16], [sflag:$0x1] =	stream.indirect_vreg.gather [hbm4b:s1+s3], $0x80, v3, vm0, $0xb8;
	[tilespmem:$0x19000] =	vst v63  }
0x69: {  	s21 =	simm.s32 $0x3800  }
0x6a: {  	[tilespmem:s21], [sflag:$0x1] =	stream.indirect_vreg.gather [hbm4b:s8+s3], $0x80, v3, vm0, $0xb8;
	[tilespmem:$0x19000] =	vst v63  }
0x6b: {  	s0 =	simm.s32 $0x4000  }
0x6c: {  	[tilespmem:s0], [sflag:$0x1] =	stream.indirect_vreg.gather [hbm4b:s9+s3], $0x80, v3, vm0, $0xb8;
	[tilespmem:$0x19000] =	vst v63  }
0x6d: {  	s6 =	simm.s32 $0x4800;
	s13 =	rddreg [dreg:$0x9]  }
0x6e: {  	[tilespmem:s6], [sflag:$0x1] =	stream.indirect_vreg.gather [hbm4b:s11+s3], $0x80, v3, vm0, $0xb8;
	[tilespmem:$0x19000] =	vst v63  }
0x6f: {  	v3 =	vld [tilespmem:s13+$0x0];
	_ =	sdelay $0x4  }
0x70: {  	v59 =	vshll.u32 v3, $0x3  }
0x71: {  	v3 =	vand.u32 $0x7, v3;
	v4 =	vand.u32 $0xFFFFFFC0, v59  }
0x72: {  	v3 =	vor.u32 v3, v4  }
0x73: {  	v4 =	vperm.xlane v3, v0;
	_ =	sdelay $0x1  }
0x74: {  	v4 =	vadd.s32 v1, v4;
	_ =	sdelay $0x3  }
0x75: {  	s13 =	simm.s32 $0x5000  }
0x76: {  	[tilespmem:s13], [sflag:$0x2] =	stream.indirect_vreg.gather [hbm4b:s1+s3], $0x80, v4, vm0, $0xb8;
	[tilespmem:$0x19000] =	vst v63  }
0x77: {  	s16 =	simm.s32 $0x5800;
	v3 =	vperm.xlane v3, v2  }
0x78: {  	[tilespmem:s16], [sflag:$0x2] =	stream.indirect_vreg.gather [hbm4b:s8+s3], $0x80, v4, vm0, $0xb8;
	[tilespmem:$0x19000] =	vst v63  }
0x79: {  	s21 =	simm.s32 $0x6000;
	v3 =	vadd.s32 v1, v3  }
0x7a: {  	[tilespmem:s21], [sflag:$0x2] =	stream.indirect_vreg.gather [hbm4b:s9+s3], $0x80, v4, vm0, $0xb8;
	[tilespmem:$0x19000] =	vst v63  }
0x7b: {  	s0 =	simm.s32 $0x6800  }
0x7c: {  	[tilespmem:s0], [sflag:$0x2] =	stream.indirect_vreg.gather [hbm4b:s11+s3], $0x80, v4, vm0, $0xb8;
	[tilespmem:$0x19000] =	vst v63  }
0x7d: {  	s6 =	simm.s32 $0x7000  }
0x7e: {  	[tilespmem:s6], [sflag:$0x2] =	stream.indirect_vreg.gather [hbm4b:s1+s3], $0x80, v3, vm0, $0xb8;
	[tilespmem:$0x19000] =	vst v63  }
0x7f: {  	s16 =	simm.s32 $0x7800  }
0x80: {  	[tilespmem:s16], [sflag:$0x2] =	stream.indirect_vreg.gather [hbm4b:s8+s3], $0x80, v3, vm0, $0xb8;
	[tilespmem:$0x19000] =	vst v63  }
0x81: {  	s21 =	simm.s32 $0x8000  }
0x82: {  	[tilespmem:s21], [sflag:$0x2] =	stream.indirect_vreg.gather [hbm4b:s9+s3], $0x80, v3, vm0, $0xb8;
	[tilespmem:$0x19000] =	vst v63  }
0x83: {  	s0 =	simm.s32 $0x8800  }
0x84: {  	[tilespmem:s0], [sflag:$0x2] =	stream.indirect_vreg.gather [hbm4b:s11+s3], $0x80, v3, vm0, $0xb8;
	[tilespmem:$0x19000] =	vst v63  }
0x85: {  	v3 =	vld [tilespmem:s5+$0x80];
	_ =	sdelay $0x4  }
0x86: {  	v60 =	vshll.u32 v3, $0x3  }
0x87: {  	v3 =	vand.u32 $0x7, v3;
	v4 =	vand.u32 $0xFFFFFFC0, v60  }
0x88: {  	v3 =	vor.u32 v3, v4  }
0x89: {  	v4 =	vperm.xlane v3, v0;
	_ =	sdelay $0x1  }
0x8a: {  	v4 =	vadd.s32 v1, v4;
	_ =	sdelay $0x3  }
0x8b: {  	s16 =	simm.s32 $0x9000  }
0x8c: {  	[tilespmem:s16], [sflag:$0x3] =	stream.indirect_vreg.gather [hbm4b:s1+s3], $0x80, v4, vm0, $0xb8;
	[tilespmem:$0x19000] =	vst v63  }
0x8d: {  	s6 =	simm.s32 $0x9800;
	v3 =	vperm.xlane v3, v2  }
0x8e: {  	[tilespmem:s6], [sflag:$0x3] =	stream.indirect_vreg.gather [hbm4b:s8+s3], $0x80, v4, vm0, $0xb8;
	[tilespmem:$0x19000] =	vst v63  }
0x8f: {  	s21 =	simm.s32 $0xA000;
	v3 =	vadd.s32 v1, v3  }
0x90: {  	[tilespmem:s21], [sflag:$0x3] =	stream.indirect_vreg.gather [hbm4b:s9+s3], $0x80, v4, vm0, $0xb8;
	[tilespmem:$0x19000] =	vst v63  }
0x91: {  	s0 =	simm.s32 $0xA800  }
0x92: {  	[tilespmem:s0], [sflag:$0x3] =	stream.indirect_vreg.gather [hbm4b:s11+s3], $0x80, v4, vm0, $0xb8;
	[tilespmem:$0x19000] =	vst v63  }
0x93: {  	s6 =	simm.s32 $0xB000  }
0x94: {  	[tilespmem:s6], [sflag:$0x3] =	stream.indirect_vreg.gather [hbm4b:s1+s3], $0x80, v3, vm0, $0xb8;
	[tilespmem:$0x19000] =	vst v63  }
0x95: {  	s21 =	simm.s32 $0xB800  }
0x96: {  	[tilespmem:s21], [sflag:$0x3] =	stream.indirect_vreg.gather [hbm4b:s8+s3], $0x80, v3, vm0, $0xb8;
	[tilespmem:$0x19000] =	vst v63  }
0x97: {  	s0 =	simm.s32 $0xC000  }
0x98: {  	[tilespmem:s0], [sflag:$0x3] =	stream.indirect_vreg.gather [hbm4b:s9+s3], $0x80, v3, vm0, $0xb8;
	[tilespmem:$0x19000] =	vst v63  }
0x99: {  	s6 =	simm.s32 $0xC800;
	s21 =	simm.s32 $0x1  }
0x9a: {  	[tilespmem:s6], [sflag:$0x3] =	stream.indirect_vreg.gather [hbm4b:s11+s3], $0x80, v3, vm0, $0xb8;
	[tilespmem:$0x19000] =	vst v63  }
0x9b: {  	_ =	swait.ge [sflag:s21], $0x4000  }
0x9c: {  	[sflag:s21] =	ssyncset.done $0x0  }
0x9d: {  	s0 =	rddreg [dreg:$0xa];
	[sflag:s21] =	ssyncadd.s32 $0xFFFFC000  }
0x9e: {  	[hbm4b:s0+s3] =	stream.linear.scatter [tilespmem:s18], [sflag:$0x7], $0x4000, $0x38;
	[tilespmem:$0x19000] =	vst v63  }
0x9f: {  	v3 =	vld [tilespmem:s5+$0x90];
	_ =	sdelay $0x4  }
0xa0: {  	v61 =	vshll.u32 v3, $0x3  }
0xa1: {  	v3 =	vand.u32 $0x7, v3;
	v4 =	vand.u32 $0xFFFFFFC0, v61  }
0xa2: {  	v3 =	vor.u32 v3, v4  }
0xa3: {  	v4 =	vperm.xlane v3, v0;
	_ =	sdelay $0x1  }
0xa4: {  	v4 =	vadd.s32 v1, v4;
	_ =	sdelay $0x4  }
0xa5: {  	[tilespmem:s29], [sflag:$0x4] =	stream.indirect_vreg.gather [hbm4b:s1+s3], $0x80, v4, vm0, $0xb8;
	[tilespmem:$0x19000] =	vst v63  }
0xa6: {  	s6 =	simm.s32 $0xD800;
	v3 =	vperm.xlane v3, v2  }
0xa7: {  	[tilespmem:s6], [sflag:$0x4] =	stream.indirect_vreg.gather [hbm4b:s8+s3], $0x80, v4, vm0, $0xb8;
	[tilespmem:$0x19000] =	vst v63  }
0xa8: {  	s18 =	simm.s32 $0xE000;
	v3 =	vadd.s32 v1, v3  }
0xa9: {  	[tilespmem:s18], [sflag:$0x4] =	stream.indirect_vreg.gather [hbm4b:s9+s3], $0x80, v4, vm0, $0xb8;
	[tilespmem:$0x19000] =	vst v63  }
0xaa: {  	s21 =	simm.s32 $0xE800  }
0xab: {  	[tilespmem:s21], [sflag:$0x4] =	stream.indirect_vreg.gather [hbm4b:s11+s3], $0x80, v4, vm0, $0xb8;
	[tilespmem:$0x19000] =	vst v63  }
0xac: {  	s0 =	simm.s32 $0xF000  }
0xad: {  	[tilespmem:s0], [sflag:$0x4] =	stream.indirect_vreg.gather [hbm4b:s1+s3], $0x80, v3, vm0, $0xb8;
	[tilespmem:$0x19000] =	vst v63  }
0xae: {  	s6 =	simm.s32 $0xF800  }
0xaf: {  	[tilespmem:s6], [sflag:$0x4] =	stream.indirect_vreg.gather [hbm4b:s8+s3], $0x80, v3, vm0, $0xb8;
	[tilespmem:$0x19000] =	vst v63  }
0xb0: {  	s18 =	simm.s32 $0x10000  }
0xb1: {  	[tilespmem:s18], [sflag:$0x4] =	stream.indirect_vreg.gather [hbm4b:s9+s3], $0x80, v3, vm0, $0xb8;
	[tilespmem:$0x19000] =	vst v63  }
0xb2: {  	s21 =	simm.s32 $0x10800;
	s0 =	simm.s32 $0x2  }
0xb3: {  	[tilespmem:s21], [sflag:$0x4] =	stream.indirect_vreg.gather [hbm4b:s11+s3], $0x80, v3, vm0, $0xb8;
	[tilespmem:$0x19000] =	vst v63  }
0xb4: {  	_ =	swait.ge [sflag:s0], $0x4000  }
0xb5: {  	[sflag:s0] =	ssyncset.done $0x0  }
0xb6: {  	s6 =	rddreg [dreg:$0xb];
	[sflag:s0] =	ssyncadd.s32 $0xFFFFC000  }
0xb7: {  	[hbm4b:s6+s3] =	stream.linear.scatter [tilespmem:s13], [sflag:$0x8], $0x4000, $0x38;
	[tilespmem:$0x19000] =	vst v63  }
0xb8: {  	v3 =	vld [tilespmem:s5+$0x100];
	_ =	sdelay $0x4  }
0xb9: {  	v62 =	vshll.u32 v3, $0x3  }
0xba: {  	v3 =	vand.u32 $0x7, v3;
	v4 =	vand.u32 $0xFFFFFFC0, v62  }
0xbb: {  	v3 =	vor.u32 v3, v4  }
0xbc: {  	v4 =	vperm.xlane v3, v0;
	_ =	sdelay $0x1  }
0xbd: {  	v4 =	vadd.s32 v1, v4;
	_ =	sdelay $0x4  }
0xbe: {  	[tilespmem:s25], [sflag:$0x5] =	stream.indirect_vreg.gather [hbm4b:s1+s3], $0x80, v4, vm0, $0xb8;
	[tilespmem:$0x19000] =	vst v63  }
0xbf: {  	v3 =	vperm.xlane v3, v2  }
0xc0: {  	[tilespmem:s26], [sflag:$0x5] =	stream.indirect_vreg.gather [hbm4b:s8+s3], $0x80, v4, vm0, $0xb8;
	[tilespmem:$0x19000] =	vst v63  }
0xc1: {  	v3 =	vadd.s32 v1, v3  }
0xc2: {  	[tilespmem:s22], [sflag:$0x5] =	stream.indirect_vreg.gather [hbm4b:s9+s3], $0x80, v4, vm0, $0xb8;
	[tilespmem:$0x19000] =	vst v63  }
0xc3: {  	_ = 	snop  }
0xc4: {  	[tilespmem:s7], [sflag:$0x5] =	stream.indirect_vreg.gather [hbm4b:s11+s3], $0x80, v4, vm0, $0xb8;
	[tilespmem:$0x19000] =	vst v63  }
0xc5: {  	_ = 	snop  }
0xc6: {  	[tilespmem:s17], [sflag:$0x5] =	stream.indirect_vreg.gather [hbm4b:s1+s3], $0x80, v3, vm0, $0xb8;
	[tilespmem:$0x19000] =	vst v63  }
0xc7: {  	_ = 	snop  }
0xc8: {  	[tilespmem:s28], [sflag:$0x5] =	stream.indirect_vreg.gather [hbm4b:s8+s3], $0x80, v3, vm0, $0xb8;
	[tilespmem:$0x19000] =	vst v63  }
0xc9: {  	s13 =	simm.s32 $0x14000  }
0xca: {  	[tilespmem:s13], [sflag:$0x5] =	stream.indirect_vreg.gather [hbm4b:s9+s3], $0x80, v3, vm0, $0xb8;
	[tilespmem:$0x19000] =	vst v63  }
0xcb: {  	s18 =	simm.s32 $0x3;
	s17 =	simm.s32 $0x14800  }
0xcc: {  	[tilespmem:s17], [sflag:$0x5] =	stream.indirect_vreg.gather [hbm4b:s11+s3], $0x80, v3, vm0, $0xb8;
	[tilespmem:$0x19000] =	vst v63  }
0xcd: {  	_ =	swait.ge [sflag:s18], $0x4000  }
0xce: {  	[sflag:s18] =	ssyncset.done $0x0  }
0xcf: {  	s21 =	rddreg [dreg:$0xd];
	[sflag:s18] =	ssyncadd.s32 $0xFFFFC000  }
0xd0: {  	[hbm4b:s21+s3] =	stream.linear.scatter [tilespmem:s16], [sflag:$0x9], $0x4000, $0x38;
	[tilespmem:$0x19000] =	vst v63  }
0xd1: {  	v3 =	vld [tilespmem:s5+$0x110];
	_ =	sdelay $0x4  }
0xd2: {  	v63 =	vshll.u32 v3, $0x3  }
0xd3: {  	v3 =	vand.u32 $0x7, v3;
	v4 =	vand.u32 $0xFFFFFFC0, v63  }
0xd4: {  	v3 =	vor.u32 v3, v4  }
0xd5: {  	v4 =	vperm.xlane v3, v0;
	_ =	sdelay $0x1  }
0xd6: {  	v4 =	vadd.s32 v1, v4;
	_ =	sdelay $0x4  }
0xd7: {  	[tilespmem:s23], [sflag:$0x6] =	stream.indirect_vreg.gather [hbm4b:s1+s3], $0x80, v4, vm0, $0xb8;
	[tilespmem:$0x19000] =	vst v63  }
0xd8: {  	s22 =	simm.s32 $0x15800;
	v3 =	vperm.xlane v3, v2  }
0xd9: {  	[tilespmem:s22], [sflag:$0x6] =	stream.indirect_vreg.gather [hbm4b:s8+s3], $0x80, v4, vm0, $0xb8;
	[tilespmem:$0x19000] =	vst v63  }
0xda: {  	v3 =	vadd.s32 v1, v3;
	s23 =	simm.s32 $0x16000  }
0xdb: {  	[tilespmem:s23], [sflag:$0x6] =	stream.indirect_vreg.gather [hbm4b:s9+s3], $0x80, v4, vm0, $0xb8;
	[tilespmem:$0x19000] =	vst v63  }
0xdc: {  	s25 =	simm.s32 $0x16800  }
0xdd: {  	[tilespmem:s25], [sflag:$0x6] =	stream.indirect_vreg.gather [hbm4b:s11+s3], $0x80, v4, vm0, $0xb8;
	[tilespmem:$0x19000] =	vst v63  }
0xde: {  	s26 =	simm.s32 $0x17000  }
0xdf: {  	[tilespmem:s26], [sflag:$0x6] =	stream.indirect_vreg.gather [hbm4b:s1+s3], $0x80, v3, vm0, $0xb8;
	[tilespmem:$0x19000] =	vst v63  }
0xe0: {  	s0 =	simm.s32 $0x17800  }
0xe1: {  	[tilespmem:s0], [sflag:$0x6] =	stream.indirect_vreg.gather [hbm4b:s8+s3], $0x80, v3, vm0, $0xb8;
	[tilespmem:$0x19000] =	vst v63  }
0xe2: {  	s29 =	simm.s32 $0x13800;
	s7 =	simm.s32 $0xC;
	s28 =	simm.s32 $0x12800  }
0xe3: {  	[tilespmem:s24], [sflag:$0x6] =	stream.indirect_vreg.gather [hbm4b:s9+s3], $0x80, v3, vm0, $0xb8;
	[tilespmem:$0x19000] =	vst v63  }
0xe4: {  	s2 =	rddreg [dreg:$0x15];
	s21 =	simm.s32 $0x0;
	s22 =	simm.s32 $0x11800  }
0xe5: {  	[tilespmem:s15], [sflag:$0x6] =	stream.indirect_vreg.gather [hbm4b:s11+s3], $0x80, v3, vm0, $0xb8;
	[tilespmem:$0x19000] =	vst v63  }
.LBB2_2:
0xe6: {  	_ =	swait.ge [sflag:s10], $0x4000  }
0xe7: {  	s23 =	rddreg [dreg:$0x6];
	[sflag:s10] =	ssyncset.done $0x0  }
0xe8: {  	s6 =	simm.s32 $0xD000;
	[sflag:s10] =	ssyncadd.s32 $0xFFFFC000;
	s23 =	sadd.s32 s21, s23  }
0xe9: {  	[hbm4b:s23+s3] =	stream.linear.scatter [tilespmem:s6], [sflag:$0xA], $0x4000, $0x38;
	[tilespmem:$0x19000] =	vst v63  }
0xea: {  	_ =	swait.ge [sflag:s30], $0x4000  }
0xeb: {  	[sflag:s30] =	ssyncset.done $0x0  }
0xec: {  	[sflag:s30] =	ssyncadd.s32 $0xFFFFC000  }
0xed: {  	v3 =	vld [tilespmem:s2+$0xFFFFFEF0];
	_ =	sdelay $0x4  }
0xee: {  	v4 =	vshll.u32 v3, $0x3  }
0xef: {  	v3 =	vand.u32 $0x7, v3;
	v4 =	vand.u32 $0xFFFFFFC0, v4  }
0xf0: {  	v3 =	vor.u32 v3, v4  }
0xf1: {  	v4 =	vperm.xlane v3, v0;
	_ =	sdelay $0x1  }
0xf2: {  	v4 =	vadd.s32 v1, v4;
	_ =	sdelay $0x3  }
0xf3: {  	s25 =	simm.s32 $0x1000  }
0xf4: {  	[tilespmem:s25], [sflag:$0x1] =	stream.indirect_vreg.gather [hbm4b:s1+s3], $0x80, v4, vm0, $0xb8;
	[tilespmem:$0x19000] =	vst v63  }
0xf5: {  	s18 =	simm.s32 $0x1800;
	v3 =	vperm.xlane v3, v2  }
0xf6: {  	[tilespmem:s18], [sflag:$0x1] =	stream.indirect_vreg.gather [hbm4b:s8+s3], $0x80, v4, vm0, $0xb8;
	[tilespmem:$0x19000] =	vst v63  }
0xf7: {  	s13 =	simm.s32 $0x2000;
	v3 =	vadd.s32 v1, v3  }
0xf8: {  	[tilespmem:s13], [sflag:$0x1] =	stream.indirect_vreg.gather [hbm4b:s9+s3], $0x80, v4, vm0, $0xb8;
	[tilespmem:$0x19000] =	vst v63  }
0xf9: {  	s26 =	simm.s32 $0x2800  }
0xfa: {  	[tilespmem:s26], [sflag:$0x1] =	stream.indirect_vreg.gather [hbm4b:s11+s3], $0x80, v4, vm0, $0xb8;
	[tilespmem:$0x19000] =	vst v63  }
0xfb: {  	s13 =	simm.s32 $0x3000  }
0xfc: {  	[tilespmem:s13], [sflag:$0x1] =	stream.indirect_vreg.gather [hbm4b:s1+s3], $0x80, v3, vm0, $0xb8;
	[tilespmem:$0x19000] =	vst v63  }
0xfd: {  	s16 =	simm.s32 $0x3800  }
0xfe: {  	[tilespmem:s16], [sflag:$0x1] =	stream.indirect_vreg.gather [hbm4b:s8+s3], $0x80, v3, vm0, $0xb8;
	[tilespmem:$0x19000] =	vst v63  }
0xff: {  	s17 =	simm.s32 $0x4000  }
0x100: {  	[tilespmem:s17], [sflag:$0x1] =	stream.indirect_vreg.gather [hbm4b:s9+s3], $0x80, v3, vm0, $0xb8;
	[tilespmem:$0x19000] =	vst v63  }
0x101: {  	s23 =	simm.s32 $0x4800  }
0x102: {  	[tilespmem:s23], [sflag:$0x1] =	stream.indirect_vreg.gather [hbm4b:s11+s3], $0x80, v3, vm0, $0xb8;
	[tilespmem:$0x19000] =	vst v63  }
0x103: {  	_ =	swait.ge [sflag:s31], $0x4000  }
0x104: {  	s26 =	rddreg [dreg:$0x4]  }
0x105: {  	[sflag:s31] =	ssyncset.done $0x0;
	s23 =	sadd.s32 s21, s26  }
0x106: {  	s17 =	simm.s32 $0x11000;
	[sflag:s31] =	ssyncadd.s32 $0xFFFFC000;
	s13 =	sadd.s32 $0x40000, s23  }
0x107: {  	[hbm4b:s13+s3] =	stream.linear.scatter [tilespmem:s17], [sflag:$0xB], $0x4000, $0x38;
	[tilespmem:$0x19000] =	vst v63  }
0x108: {  	_ =	swait.ge [sflag:s20], $0x4000  }
0x109: {  	[sflag:s20] =	ssyncset.done $0x0  }
0x10a: {  	[sflag:s20] =	ssyncadd.s32 $0xFFFFC000  }
0x10b: {  	v3 =	vld [tilespmem:s2+$0xFFFFFF00];
	_ =	sdelay $0x4  }
0x10c: {  	v59 =	vshll.u32 v3, $0x3  }
0x10d: {  	v3 =	vand.u32 $0x7, v3;
	v4 =	vand.u32 $0xFFFFFFC0, v59  }
0x10e: {  	v3 =	vor.u32 v3, v4  }
0x10f: {  	v4 =	vperm.xlane v3, v0;
	_ =	sdelay $0x1  }
0x110: {  	v4 =	vadd.s32 v1, v4;
	_ =	sdelay $0x3  }
0x111: {  	s13 =	simm.s32 $0x5000  }
0x112: {  	[tilespmem:s13], [sflag:$0x2] =	stream.indirect_vreg.gather [hbm4b:s1+s3], $0x80, v4, vm0, $0xb8;
	[tilespmem:$0x19000] =	vst v63  }
0x113: {  	s16 =	simm.s32 $0x5800;
	v3 =	vperm.xlane v3, v2  }
0x114: {  	[tilespmem:s16], [sflag:$0x2] =	stream.indirect_vreg.gather [hbm4b:s8+s3], $0x80, v4, vm0, $0xb8;
	[tilespmem:$0x19000] =	vst v63  }
0x115: {  	s26 =	simm.s32 $0x6000;
	v3 =	vadd.s32 v1, v3  }
0x116: {  	[tilespmem:s26], [sflag:$0x2] =	stream.indirect_vreg.gather [hbm4b:s9+s3], $0x80, v4, vm0, $0xb8;
	[tilespmem:$0x19000] =	vst v63  }
0x117: {  	s16 =	simm.s32 $0x6800  }
0x118: {  	[tilespmem:s16], [sflag:$0x2] =	stream.indirect_vreg.gather [hbm4b:s11+s3], $0x80, v4, vm0, $0xb8;
	[tilespmem:$0x19000] =	vst v63  }
0x119: {  	s26 =	simm.s32 $0x7000  }
0x11a: {  	[tilespmem:s26], [sflag:$0x2] =	stream.indirect_vreg.gather [hbm4b:s1+s3], $0x80, v3, vm0, $0xb8;
	[tilespmem:$0x19000] =	vst v63  }
0x11b: {  	s16 =	simm.s32 $0x7800  }
0x11c: {  	[tilespmem:s16], [sflag:$0x2] =	stream.indirect_vreg.gather [hbm4b:s8+s3], $0x80, v3, vm0, $0xb8;
	[tilespmem:$0x19000] =	vst v63  }
0x11d: {  	s26 =	simm.s32 $0x8000  }
0x11e: {  	[tilespmem:s26], [sflag:$0x2] =	stream.indirect_vreg.gather [hbm4b:s9+s3], $0x80, v3, vm0, $0xb8;
	[tilespmem:$0x19000] =	vst v63  }
0x11f: {  	s16 =	simm.s32 $0x8800  }
0x120: {  	[tilespmem:s16], [sflag:$0x2] =	stream.indirect_vreg.gather [hbm4b:s11+s3], $0x80, v3, vm0, $0xb8;
	[tilespmem:$0x19000] =	vst v63  }
0x121: {  	_ =	swait.ge [sflag:s4], $0x4000  }
0x122: {  	s26 =	rddreg [dreg:$0x5];
	[sflag:s4] =	ssyncset.done $0x0  }
0x123: {  	[sflag:s4] =	ssyncadd.s32 $0xFFFFC000;
	s18 =	sadd.s32 s21, s26;
	s26 =	simm.s32 $0x15000  }
0x124: {  	[hbm4b:s18+s3] =	stream.linear.scatter [tilespmem:s26], [sflag:$0xC], $0x4000, $0x38;
	[tilespmem:$0x19000] =	vst v63  }
0x125: {  	_ =	swait.ge [sflag:s12], $0x4000  }
0x126: {  	[sflag:s12] =	ssyncset.done $0x0  }
0x127: {  	[sflag:s12] =	ssyncadd.s32 $0xFFFFC000  }
0x128: {  	v3 =	vld [tilespmem:s2+$0xFFFFFF70];
	_ =	sdelay $0x4  }
0x129: {  	v60 =	vshll.u32 v3, $0x3  }
0x12a: {  	v3 =	vand.u32 $0x7, v3;
	v4 =	vand.u32 $0xFFFFFFC0, v60  }
0x12b: {  	v3 =	vor.u32 v3, v4  }
0x12c: {  	v4 =	vperm.xlane v3, v0;
	_ =	sdelay $0x1  }
0x12d: {  	v4 =	vadd.s32 v1, v4;
	_ =	sdelay $0x3  }
0x12e: {  	s16 =	simm.s32 $0x9000  }
0x12f: {  	[tilespmem:s16], [sflag:$0x3] =	stream.indirect_vreg.gather [hbm4b:s1+s3], $0x80, v4, vm0, $0xb8;
	[tilespmem:$0x19000] =	vst v63  }
0x130: {  	s18 =	simm.s32 $0x9800;
	v3 =	vperm.xlane v3, v2  }
0x131: {  	[tilespmem:s18], [sflag:$0x3] =	stream.indirect_vreg.gather [hbm4b:s8+s3], $0x80, v4, vm0, $0xb8;
	[tilespmem:$0x19000] =	vst v63  }
0x132: {  	v3 =	vadd.s32 v1, v3;
	s18 =	simm.s32 $0xA000  }
0x133: {  	[tilespmem:s18], [sflag:$0x3] =	stream.indirect_vreg.gather [hbm4b:s9+s3], $0x80, v4, vm0, $0xb8;
	[tilespmem:$0x19000] =	vst v63  }
0x134: {  	s18 =	simm.s32 $0xA800  }
0x135: {  	[tilespmem:s18], [sflag:$0x3] =	stream.indirect_vreg.gather [hbm4b:s11+s3], $0x80, v4, vm0, $0xb8;
	[tilespmem:$0x19000] =	vst v63  }
0x136: {  	s18 =	simm.s32 $0xB000  }
0x137: {  	[tilespmem:s18], [sflag:$0x3] =	stream.indirect_vreg.gather [hbm4b:s1+s3], $0x80, v3, vm0, $0xb8;
	[tilespmem:$0x19000] =	vst v63  }
0x138: {  	s18 =	simm.s32 $0xB800  }
0x139: {  	[tilespmem:s18], [sflag:$0x3] =	stream.indirect_vreg.gather [hbm4b:s8+s3], $0x80, v3, vm0, $0xb8;
	[tilespmem:$0x19000] =	vst v63  }
0x13a: {  	s18 =	simm.s32 $0xC000  }
0x13b: {  	[tilespmem:s18], [sflag:$0x3] =	stream.indirect_vreg.gather [hbm4b:s9+s3], $0x80, v3, vm0, $0xb8;
	[tilespmem:$0x19000] =	vst v63  }
0x13c: {  	s18 =	simm.s32 $0xC800  }
0x13d: {  	[tilespmem:s18], [sflag:$0x3] =	stream.indirect_vreg.gather [hbm4b:s11+s3], $0x80, v3, vm0, $0xb8;
	[tilespmem:$0x19000] =	vst v63  }
0x13e: {  	s18 =	simm.s32 $0x1  }
0x13f: {  	_ =	swait.ge [sflag:s18], $0x4000  }
0x140: {  	[sflag:s18] =	ssyncset.done $0x0  }
0x141: {  	[sflag:s18] =	ssyncadd.s32 $0xFFFFC000;
	s18 =	sadd.s32 $0x60000, s23  }
0x142: {  	[hbm4b:s18+s3] =	stream.linear.scatter [tilespmem:s25], [sflag:$0x7], $0x4000, $0x38;
	[tilespmem:$0x19000] =	vst v63  }
0x143: {  	_ =	swait.ge [sflag:s14], $0x4000  }
0x144: {  	[sflag:s14] =	ssyncset.done $0x0  }
0x145: {  	[sflag:s14] =	ssyncadd.s32 $0xFFFFC000  }
0x146: {  	v3 =	vld [tilespmem:s2+$0xFFFFFF80];
	_ =	sdelay $0x4  }
0x147: {  	v61 =	vshll.u32 v3, $0x3  }
0x148: {  	v3 =	vand.u32 $0x7, v3;
	v4 =	vand.u32 $0xFFFFFFC0, v61  }
0x149: {  	v3 =	vor.u32 v3, v4  }
0x14a: {  	v4 =	vperm.xlane v3, v0;
	_ =	sdelay $0x1  }
0x14b: {  	v4 =	vadd.s32 v1, v4;
	_ =	sdelay $0x4  }
0x14c: {  	[tilespmem:s6], [sflag:$0x4] =	stream.indirect_vreg.gather [hbm4b:s1+s3], $0x80, v4, vm0, $0xb8;
	[tilespmem:$0x19000] =	vst v63  }
0x14d: {  	v3 =	vperm.xlane v3, v2;
	s6 =	simm.s32 $0xD800  }
0x14e: {  	[tilespmem:s6], [sflag:$0x4] =	stream.indirect_vreg.gather [hbm4b:s8+s3], $0x80, v4, vm0, $0xb8;
	[tilespmem:$0x19000] =	vst v63  }
0x14f: {  	s25 =	simm.s32 $0xE000;
	v3 =	vadd.s32 v1, v3  }
0x150: {  	[tilespmem:s25], [sflag:$0x4] =	stream.indirect_vreg.gather [hbm4b:s9+s3], $0x80, v4, vm0, $0xb8;
	[tilespmem:$0x19000] =	vst v63  }
0x151: {  	s6 =	simm.s32 $0xE800  }
0x152: {  	[tilespmem:s6], [sflag:$0x4] =	stream.indirect_vreg.gather [hbm4b:s11+s3], $0x80, v4, vm0, $0xb8;
	[tilespmem:$0x19000] =	vst v63  }
0x153: {  	s25 =	simm.s32 $0xF000  }
0x154: {  	[tilespmem:s25], [sflag:$0x4] =	stream.indirect_vreg.gather [hbm4b:s1+s3], $0x80, v3, vm0, $0xb8;
	[tilespmem:$0x19000] =	vst v63  }
0x155: {  	s6 =	simm.s32 $0xF800  }
0x156: {  	[tilespmem:s6], [sflag:$0x4] =	stream.indirect_vreg.gather [hbm4b:s8+s3], $0x80, v3, vm0, $0xb8;
	[tilespmem:$0x19000] =	vst v63  }
0x157: {  	s25 =	simm.s32 $0x10000  }
0x158: {  	[tilespmem:s25], [sflag:$0x4] =	stream.indirect_vreg.gather [hbm4b:s9+s3], $0x80, v3, vm0, $0xb8;
	[tilespmem:$0x19000] =	vst v63  }
0x159: {  	s6 =	simm.s32 $0x10800;
	s25 =	simm.s32 $0x2  }
0x15a: {  	[tilespmem:s6], [sflag:$0x4] =	stream.indirect_vreg.gather [hbm4b:s11+s3], $0x80, v3, vm0, $0xb8;
	[tilespmem:$0x19000] =	vst v63  }
0x15b: {  	_ =	swait.ge [sflag:s25], $0x4000  }
0x15c: {  	[sflag:s25] =	ssyncset.done $0x0  }
0x15d: {  	s6 =	sadd.s32 $0x60800, s23;
	[sflag:s25] =	ssyncadd.s32 $0xFFFFC000  }
0x15e: {  	[hbm4b:s6+s3] =	stream.linear.scatter [tilespmem:s13], [sflag:$0x8], $0x4000, $0x38;
	[tilespmem:$0x19000] =	vst v63  }
0x15f: {  	_ =	swait.ge [sflag:s19], $0x4000  }
0x160: {  	[sflag:s19] =	ssyncset.done $0x0  }
0x161: {  	[sflag:s19] =	ssyncadd.s32 $0xFFFFC000  }
0x162: {  	v3 =	vld [tilespmem:s2+$0xFFFFFFF0];
	_ =	sdelay $0x4  }
0x163: {  	v62 =	vshll.u32 v3, $0x3  }
0x164: {  	v3 =	vand.u32 $0x7, v3;
	v4 =	vand.u32 $0xFFFFFFC0, v62  }
0x165: {  	v3 =	vor.u32 v3, v4  }
0x166: {  	v4 =	vperm.xlane v3, v0;
	_ =	sdelay $0x1  }
0x167: {  	v4 =	vadd.s32 v1, v4;
	_ =	sdelay $0x4  }
0x168: {  	[tilespmem:s17], [sflag:$0x5] =	stream.indirect_vreg.gather [hbm4b:s1+s3], $0x80, v4, vm0, $0xb8;
	[tilespmem:$0x19000] =	vst v63  }
0x169: {  	v3 =	vperm.xlane v3, v2  }
0x16a: {  	[tilespmem:s22], [sflag:$0x5] =	stream.indirect_vreg.gather [hbm4b:s8+s3], $0x80, v4, vm0, $0xb8;
	[tilespmem:$0x19000] =	vst v63  }
0x16b: {  	s13 =	simm.s32 $0x12000;
	v3 =	vadd.s32 v1, v3  }
0x16c: {  	[tilespmem:s13], [sflag:$0x5] =	stream.indirect_vreg.gather [hbm4b:s9+s3], $0x80, v4, vm0, $0xb8;
	[tilespmem:$0x19000] =	vst v63  }
0x16d: {  	_ = 	snop  }
0x16e: {  	[tilespmem:s28], [sflag:$0x5] =	stream.indirect_vreg.gather [hbm4b:s11+s3], $0x80, v4, vm0, $0xb8;
	[tilespmem:$0x19000] =	vst v63  }
0x16f: {  	s17 =	simm.s32 $0x13000  }
0x170: {  	[tilespmem:s17], [sflag:$0x5] =	stream.indirect_vreg.gather [hbm4b:s1+s3], $0x80, v3, vm0, $0xb8;
	[tilespmem:$0x19000] =	vst v63  }
0x171: {  	_ = 	snop  }
0x172: {  	[tilespmem:s29], [sflag:$0x5] =	stream.indirect_vreg.gather [hbm4b:s8+s3], $0x80, v3, vm0, $0xb8;
	[tilespmem:$0x19000] =	vst v63  }
0x173: {  	s18 =	simm.s32 $0x14000  }
0x174: {  	[tilespmem:s18], [sflag:$0x5] =	stream.indirect_vreg.gather [hbm4b:s9+s3], $0x80, v3, vm0, $0xb8;
	[tilespmem:$0x19000] =	vst v63  }
0x175: {  	s13 =	simm.s32 $0x14800;
	s18 =	simm.s32 $0x3  }
0x176: {  	[tilespmem:s13], [sflag:$0x5] =	stream.indirect_vreg.gather [hbm4b:s11+s3], $0x80, v3, vm0, $0xb8;
	[tilespmem:$0x19000] =	vst v63  }
0x177: {  	_ =	swait.ge [sflag:s18], $0x4000  }
0x178: {  	[sflag:s18] =	ssyncset.done $0x0  }
0x179: {  	s6 =	sadd.s32 $0x80000, s23;
	[sflag:s18] =	ssyncadd.s32 $0xFFFFC000  }
0x17a: {  	[hbm4b:s6+s3] =	stream.linear.scatter [tilespmem:s16], [sflag:$0x9], $0x4000, $0x38;
	[tilespmem:$0x19000] =	vst v63  }
0x17b: {  	_ =	swait.ge [sflag:s7], $0x4000  }
0x17c: {  	[sflag:s7] =	ssyncset.done $0x0  }
0x17d: {  	[sflag:s7] =	ssyncadd.s32 $0xFFFFC000  }
0x17e: {  	v3 =	vld [tilespmem:s2+$0x0];
	_ =	sdelay $0x4  }
0x17f: {  	v63 =	vshll.u32 v3, $0x3  }
0x180: {  	v3 =	vand.u32 $0x7, v3;
	v4 =	vand.u32 $0xFFFFFFC0, v63  }
0x181: {  	v3 =	vor.u32 v3, v4  }
0x182: {  	v4 =	vperm.xlane v3, v0;
	_ =	sdelay $0x1  }
0x183: {  	v4 =	vadd.s32 v1, v4;
	_ =	sdelay $0x4  }
0x184: {  	[tilespmem:s26], [sflag:$0x6] =	stream.indirect_vreg.gather [hbm4b:s1+s3], $0x80, v4, vm0, $0xb8;
	[tilespmem:$0x19000] =	vst v63  }
0x185: {  	s13 =	simm.s32 $0x15800;
	v3 =	vperm.xlane v3, v2  }
0x186: {  	[tilespmem:s13], [sflag:$0x6] =	stream.indirect_vreg.gather [hbm4b:s8+s3], $0x80, v4, vm0, $0xb8;
	[tilespmem:$0x19000] =	vst v63  }
0x187: {  	s16 =	simm.s32 $0x16000;
	v3 =	vadd.s32 v1, v3  }
0x188: {  	[tilespmem:s16], [sflag:$0x6] =	stream.indirect_vreg.gather [hbm4b:s9+s3], $0x80, v4, vm0, $0xb8;
	[tilespmem:$0x19000] =	vst v63  }
0x189: {  	s18 =	simm.s32 $0x16800  }
0x18a: {  	[tilespmem:s18], [sflag:$0x6] =	stream.indirect_vreg.gather [hbm4b:s11+s3], $0x80, v4, vm0, $0xb8;
	[tilespmem:$0x19000] =	vst v63  }
0x18b: {  	s26 =	simm.s32 $0x17000  }
0x18c: {  	[tilespmem:s26], [sflag:$0x6] =	stream.indirect_vreg.gather [hbm4b:s1+s3], $0x80, v3, vm0, $0xb8;
	[tilespmem:$0x19000] =	vst v63  }
0x18d: {  	p0 =	sne.s32 s21, $0x240000  }
0x18e: {  	[tilespmem:s0], [sflag:$0x6] =	stream.indirect_vreg.gather [hbm4b:s8+s3], $0x80, v3, vm0, $0xb8;
	[tilespmem:$0x19000] =	vst v63  }
.Ltmp0:
0x18f: {  	_ = 	snop;
	(pc) =	sbr.rel @p0 .LBB2_2-.Ltmp0, $4  }
0x190: {  	s21 =	sadd.s32 $0x60000, s21  }
0x191: {  	[tilespmem:s24], [sflag:$0x6] =	stream.indirect_vreg.gather [hbm4b:s9+s3], $0x80, v3, vm0, $0xb8;
	[tilespmem:$0x19000] =	vst v63  }
0x192: {  	s25 =	simm.s32 $0x11000;
	s23 =	simm.s32 $0x15000;
	s2 =	sadd.s32 $0x180, s2  }
0x193: {  	[tilespmem:s15], [sflag:$0x6] =	stream.indirect_vreg.gather [hbm4b:s11+s3], $0x80, v3, vm0, $0xb8;
	[tilespmem:$0x19000] =	vst v63  }
0x194: {  	_ =	swait.ge [sflag:s10], $0x4000  }
0x195: {  	[sflag:s10] =	ssyncset.done $0x0  }
0x196: {  	s16 =	simm.s32 $0xD000;
	s2 =	rddreg [dreg:$0xc];
	[sflag:s10] =	ssyncadd.s32 $0xFFFFC000  }
0x197: {  	[hbm4b:s2+s3] =	stream.linear.scatter [tilespmem:s16], [sflag:$0xA], $0x4000, $0x38;
	[tilespmem:$0x19000] =	vst v63  }
0x198: {  	_ =	swait.ge [sflag:s30], $0x4000  }
0x199: {  	[sflag:s30] =	ssyncset.done $0x0  }
0x19a: {  	[sflag:s30] =	ssyncadd.s32 $0xFFFFC000  }
0x19b: {  	v3 =	vld [tilespmem:s5+$0xC00];
	_ =	sdelay $0x4  }
0x19c: {  	v4 =	vshll.u32 v3, $0x3  }
0x19d: {  	v3 =	vand.u32 $0x7, v3;
	v4 =	vand.u32 $0xFFFFFFC0, v4  }
0x19e: {  	v3 =	vor.u32 v3, v4  }
0x19f: {  	v4 =	vperm.xlane v3, v0;
	_ =	sdelay $0x1  }
0x1a0: {  	v4 =	vadd.s32 v1, v4;
	_ =	sdelay $0x3  }
0x1a1: {  	s0 =	simm.s32 $0x1000  }
0x1a2: {  	[tilespmem:s0], [sflag:$0x1] =	stream.indirect_vreg.gather [hbm4b:s1+s3], $0x80, v4, vm0, $0xb8;
	[tilespmem:$0x19000] =	vst v63  }
0x1a3: {  	s18 =	simm.s32 $0x1800;
	v3 =	vperm.xlane v3, v2  }
0x1a4: {  	[tilespmem:s18], [sflag:$0x1] =	stream.indirect_vreg.gather [hbm4b:s8+s3], $0x80, v4, vm0, $0xb8;
	[tilespmem:$0x19000] =	vst v63  }
0x1a5: {  	s21 =	simm.s32 $0x2000;
	v3 =	vadd.s32 v1, v3  }
0x1a6: {  	[tilespmem:s21], [sflag:$0x1] =	stream.indirect_vreg.gather [hbm4b:s9+s3], $0x80, v4, vm0, $0xb8;
	[tilespmem:$0x19000] =	vst v63  }
0x1a7: {  	s22 =	simm.s32 $0x2800  }
0x1a8: {  	[tilespmem:s22], [sflag:$0x1] =	stream.indirect_vreg.gather [hbm4b:s11+s3], $0x80, v4, vm0, $0xb8;
	[tilespmem:$0x19000] =	vst v63  }
0x1a9: {  	s26 =	simm.s32 $0x3000  }
0x1aa: {  	[tilespmem:s26], [sflag:$0x1] =	stream.indirect_vreg.gather [hbm4b:s1+s3], $0x80, v3, vm0, $0xb8;
	[tilespmem:$0x19000] =	vst v63  }
0x1ab: {  	s6 =	simm.s32 $0x3800  }
0x1ac: {  	[tilespmem:s6], [sflag:$0x1] =	stream.indirect_vreg.gather [hbm4b:s8+s3], $0x80, v3, vm0, $0xb8;
	[tilespmem:$0x19000] =	vst v63  }
0x1ad: {  	s13 =	simm.s32 $0x4000  }
0x1ae: {  	[tilespmem:s13], [sflag:$0x1] =	stream.indirect_vreg.gather [hbm4b:s9+s3], $0x80, v3, vm0, $0xb8;
	[tilespmem:$0x19000] =	vst v63  }
0x1af: {  	s18 =	simm.s32 $0x4800  }
0x1b0: {  	[tilespmem:s18], [sflag:$0x1] =	stream.indirect_vreg.gather [hbm4b:s11+s3], $0x80, v3, vm0, $0xb8;
	[tilespmem:$0x19000] =	vst v63  }
0x1b1: {  	_ =	swait.ge [sflag:s31], $0x4000  }
0x1b2: {  	[sflag:s31] =	ssyncset.done $0x0  }
0x1b3: {  	s21 =	rddreg [dreg:$0xe];
	[sflag:s31] =	ssyncadd.s32 $0xFFFFC000  }
0x1b4: {  	[hbm4b:s21+s3] =	stream.linear.scatter [tilespmem:s25], [sflag:$0xB], $0x4000, $0x38;
	[tilespmem:$0x19000] =	vst v63  }
0x1b5: {  	_ =	swait.ge [sflag:s20], $0x4000  }
0x1b6: {  	[sflag:s20] =	ssyncset.done $0x0  }
0x1b7: {  	[sflag:s20] =	ssyncadd.s32 $0xFFFFC000  }
0x1b8: {  	v3 =	vld [tilespmem:s5+$0xC10];
	_ =	sdelay $0x4  }
0x1b9: {  	v61 =	vshll.u32 v3, $0x3  }
0x1ba: {  	v3 =	vand.u32 $0x7, v3;
	v4 =	vand.u32 $0xFFFFFFC0, v61  }
0x1bb: {  	v3 =	vor.u32 v3, v4  }
0x1bc: {  	v4 =	vperm.xlane v3, v0;
	_ =	sdelay $0x1  }
0x1bd: {  	v4 =	vadd.s32 v1, v4;
	_ =	sdelay $0x3  }
0x1be: {  	s6 =	simm.s32 $0x5000  }
0x1bf: {  	[tilespmem:s6], [sflag:$0x2] =	stream.indirect_vreg.gather [hbm4b:s1+s3], $0x80, v4, vm0, $0xb8;
	[tilespmem:$0x19000] =	vst v63  }
0x1c0: {  	s22 =	simm.s32 $0x5800;
	v3 =	vperm.xlane v3, v2  }
0x1c1: {  	[tilespmem:s22], [sflag:$0x2] =	stream.indirect_vreg.gather [hbm4b:s8+s3], $0x80, v4, vm0, $0xb8;
	[tilespmem:$0x19000] =	vst v63  }
0x1c2: {  	s26 =	simm.s32 $0x6000;
	v3 =	vadd.s32 v1, v3  }
0x1c3: {  	[tilespmem:s26], [sflag:$0x2] =	stream.indirect_vreg.gather [hbm4b:s9+s3], $0x80, v4, vm0, $0xb8;
	[tilespmem:$0x19000] =	vst v63  }
0x1c4: {  	s13 =	simm.s32 $0x6800  }
0x1c5: {  	[tilespmem:s13], [sflag:$0x2] =	stream.indirect_vreg.gather [hbm4b:s11+s3], $0x80, v4, vm0, $0xb8;
	[tilespmem:$0x19000] =	vst v63  }
0x1c6: {  	s18 =	simm.s32 $0x7000  }
0x1c7: {  	[tilespmem:s18], [sflag:$0x2] =	stream.indirect_vreg.gather [hbm4b:s1+s3], $0x80, v3, vm0, $0xb8;
	[tilespmem:$0x19000] =	vst v63  }
0x1c8: {  	s21 =	simm.s32 $0x7800  }
0x1c9: {  	[tilespmem:s21], [sflag:$0x2] =	stream.indirect_vreg.gather [hbm4b:s8+s3], $0x80, v3, vm0, $0xb8;
	[tilespmem:$0x19000] =	vst v63  }
0x1ca: {  	s22 =	simm.s32 $0x8000  }
0x1cb: {  	[tilespmem:s22], [sflag:$0x2] =	stream.indirect_vreg.gather [hbm4b:s9+s3], $0x80, v3, vm0, $0xb8;
	[tilespmem:$0x19000] =	vst v63  }
0x1cc: {  	s26 =	simm.s32 $0x8800  }
0x1cd: {  	[tilespmem:s26], [sflag:$0x2] =	stream.indirect_vreg.gather [hbm4b:s11+s3], $0x80, v3, vm0, $0xb8;
	[tilespmem:$0x19000] =	vst v63  }
0x1ce: {  	_ =	swait.ge [sflag:s4], $0x4000  }
0x1cf: {  	[sflag:s4] =	ssyncset.done $0x0  }
0x1d0: {  	s13 =	rddreg [dreg:$0xf];
	[sflag:s4] =	ssyncadd.s32 $0xFFFFC000  }
0x1d1: {  	[hbm4b:s13+s3] =	stream.linear.scatter [tilespmem:s23], [sflag:$0xC], $0x4000, $0x38;
	[tilespmem:$0x19000] =	vst v63  }
0x1d2: {  	_ =	swait.ge [sflag:s12], $0x4000  }
0x1d3: {  	[sflag:s12] =	ssyncset.done $0x0  }
0x1d4: {  	[sflag:s12] =	ssyncadd.s32 $0xFFFFC000  }
0x1d5: {  	v3 =	vld [tilespmem:s5+$0xC80];
	_ =	sdelay $0x4  }
0x1d6: {  	v62 =	vshll.u32 v3, $0x3  }
0x1d7: {  	v3 =	vand.u32 $0x7, v3;
	v4 =	vand.u32 $0xFFFFFFC0, v62  }
0x1d8: {  	v3 =	vor.u32 v3, v4  }
0x1d9: {  	v4 =	vperm.xlane v3, v0;
	_ =	sdelay $0x1  }
0x1da: {  	v4 =	vadd.s32 v1, v4;
	_ =	sdelay $0x3  }
0x1db: {  	s13 =	simm.s32 $0x9000  }
0x1dc: {  	[tilespmem:s13], [sflag:$0x3] =	stream.indirect_vreg.gather [hbm4b:s1+s3], $0x80, v4, vm0, $0xb8;
	[tilespmem:$0x19000] =	vst v63  }
0x1dd: {  	s18 =	simm.s32 $0x9800;
	v3 =	vperm.xlane v3, v2  }
0x1de: {  	[tilespmem:s18], [sflag:$0x3] =	stream.indirect_vreg.gather [hbm4b:s8+s3], $0x80, v4, vm0, $0xb8;
	[tilespmem:$0x19000] =	vst v63  }
0x1df: {  	s21 =	simm.s32 $0xA000;
	v3 =	vadd.s32 v1, v3  }
0x1e0: {  	[tilespmem:s21], [sflag:$0x3] =	stream.indirect_vreg.gather [hbm4b:s9+s3], $0x80, v4, vm0, $0xb8;
	[tilespmem:$0x19000] =	vst v63  }
0x1e1: {  	s22 =	simm.s32 $0xA800  }
0x1e2: {  	[tilespmem:s22], [sflag:$0x3] =	stream.indirect_vreg.gather [hbm4b:s11+s3], $0x80, v4, vm0, $0xb8;
	[tilespmem:$0x19000] =	vst v63  }
0x1e3: {  	s26 =	simm.s32 $0xB000  }
0x1e4: {  	[tilespmem:s26], [sflag:$0x3] =	stream.indirect_vreg.gather [hbm4b:s1+s3], $0x80, v3, vm0, $0xb8;
	[tilespmem:$0x19000] =	vst v63  }
0x1e5: {  	s18 =	simm.s32 $0xB800  }
0x1e6: {  	[tilespmem:s18], [sflag:$0x3] =	stream.indirect_vreg.gather [hbm4b:s8+s3], $0x80, v3, vm0, $0xb8;
	[tilespmem:$0x19000] =	vst v63  }
0x1e7: {  	s21 =	simm.s32 $0xC000  }
0x1e8: {  	[tilespmem:s21], [sflag:$0x3] =	stream.indirect_vreg.gather [hbm4b:s9+s3], $0x80, v3, vm0, $0xb8;
	[tilespmem:$0x19000] =	vst v63  }
0x1e9: {  	s22 =	simm.s32 $0xC800;
	s26 =	simm.s32 $0x1  }
0x1ea: {  	[tilespmem:s22], [sflag:$0x3] =	stream.indirect_vreg.gather [hbm4b:s11+s3], $0x80, v3, vm0, $0xb8;
	[tilespmem:$0x19000] =	vst v63  }
0x1eb: {  	_ =	swait.ge [sflag:s26], $0x4000  }
0x1ec: {  	[sflag:s26] =	ssyncset.done $0x0  }
0x1ed: {  	s18 =	rddreg [dreg:$0x10];
	[sflag:s26] =	ssyncadd.s32 $0xFFFFC000  }
0x1ee: {  	[hbm4b:s18+s3] =	stream.linear.scatter [tilespmem:s0], [sflag:$0x7], $0x4000, $0x38;
	[tilespmem:$0x19000] =	vst v63  }
0x1ef: {  	_ =	swait.ge [sflag:s14], $0x4000  }
0x1f0: {  	[sflag:s14] =	ssyncset.done $0x0  }
0x1f1: {  	[sflag:s14] =	ssyncadd.s32 $0xFFFFC000  }
0x1f2: {  	v3 =	vld [tilespmem:s5+$0xC90];
	_ =	sdelay $0x4  }
0x1f3: {  	v63 =	vshll.u32 v3, $0x3  }
0x1f4: {  	v3 =	vand.u32 $0x7, v3;
	v4 =	vand.u32 $0xFFFFFFC0, v63  }
0x1f5: {  	v3 =	vor.u32 v3, v4  }
0x1f6: {  	v4 =	vperm.xlane v3, v0;
	_ =	sdelay $0x1  }
0x1f7: {  	v4 =	vadd.s32 v1, v4;
	_ =	sdelay $0x4  }
0x1f8: {  	[tilespmem:s16], [sflag:$0x4] =	stream.indirect_vreg.gather [hbm4b:s1+s3], $0x80, v4, vm0, $0xb8;
	[tilespmem:$0x19000] =	vst v63  }
0x1f9: {  	s21 =	simm.s32 $0xD800;
	v3 =	vperm.xlane v3, v2  }
0x1fa: {  	[tilespmem:s21], [sflag:$0x4] =	stream.indirect_vreg.gather [hbm4b:s8+s3], $0x80, v4, vm0, $0xb8;
	[tilespmem:$0x19000] =	vst v63  }
0x1fb: {  	s22 =	simm.s32 $0xE000;
	v3 =	vadd.s32 v1, v3  }
0x1fc: {  	[tilespmem:s22], [sflag:$0x4] =	stream.indirect_vreg.gather [hbm4b:s9+s3], $0x80, v4, vm0, $0xb8;
	[tilespmem:$0x19000] =	vst v63  }
0x1fd: {  	s26 =	simm.s32 $0xE800  }
0x1fe: {  	[tilespmem:s26], [sflag:$0x4] =	stream.indirect_vreg.gather [hbm4b:s11+s3], $0x80, v4, vm0, $0xb8;
	[tilespmem:$0x19000] =	vst v63  }
0x1ff: {  	s0 =	simm.s32 $0xF000  }
0x200: {  	[tilespmem:s0], [sflag:$0x4] =	stream.indirect_vreg.gather [hbm4b:s1+s3], $0x80, v3, vm0, $0xb8;
	[tilespmem:$0x19000] =	vst v63  }
0x201: {  	s18 =	simm.s32 $0xF800  }
0x202: {  	[tilespmem:s18], [sflag:$0x4] =	stream.indirect_vreg.gather [hbm4b:s8+s3], $0x80, v3, vm0, $0xb8;
	[tilespmem:$0x19000] =	vst v63  }
0x203: {  	s21 =	simm.s32 $0x10000  }
0x204: {  	[tilespmem:s21], [sflag:$0x4] =	stream.indirect_vreg.gather [hbm4b:s9+s3], $0x80, v3, vm0, $0xb8;
	[tilespmem:$0x19000] =	vst v63  }
0x205: {  	s22 =	simm.s32 $0x10800;
	s26 =	simm.s32 $0x2  }
0x206: {  	[tilespmem:s22], [sflag:$0x4] =	stream.indirect_vreg.gather [hbm4b:s11+s3], $0x80, v3, vm0, $0xb8;
	[tilespmem:$0x19000] =	vst v63  }
0x207: {  	_ =	swait.ge [sflag:s26], $0x4000  }
0x208: {  	[sflag:s26] =	ssyncset.done $0x0  }
0x209: {  	s0 =	rddreg [dreg:$0x11];
	[sflag:s26] =	ssyncadd.s32 $0xFFFFC000  }
0x20a: {  	[hbm4b:s0+s3] =	stream.linear.scatter [tilespmem:s6], [sflag:$0x8], $0x4000, $0x38;
	[tilespmem:$0x19000] =	vst v63  }
0x20b: {  	s6 =	simm.s32 $0x3  }
0x20c: {  	_ =	swait.ge [sflag:s6], $0x4000  }
0x20d: {  	[sflag:s6] =	ssyncset.done $0x0  }
0x20e: {  	s18 =	rddreg [dreg:$0x12];
	[sflag:s6] =	ssyncadd.s32 $0xFFFFC000  }
0x20f: {  	[hbm4b:s18+s3] =	stream.linear.scatter [tilespmem:s13], [sflag:$0x9], $0x4000, $0x38;
	[tilespmem:$0x19000] =	vst v63  }
0x210: {  	_ =	swait.ge [sflag:s10], $0x4000  }
0x211: {  	[sflag:s10] =	ssyncset.done $0x0  }
0x212: {  	s21 =	rddreg [dreg:$0x13];
	[sflag:s10] =	ssyncadd.s32 $0xFFFFC000  }
0x213: {  	[hbm4b:s21+s3] =	stream.linear.scatter [tilespmem:s16], [sflag:$0xA], $0x4000, $0x38;
	[tilespmem:$0x19000] =	vst v63  }
0x214: {  	_ =	swait.ge [sflag:s30], $0x4000  }
0x215: {  	[sflag:s30] =	ssyncset.done $0x0  }
0x216: {  	[sflag:s30] =	ssyncadd.s32 $0xFFFFC000  }
0x217: {  	_ =	swait.ge [sflag:s20], $0x4000  }
0x218: {  	[sflag:s20] =	ssyncset.done $0x0  }
0x219: {  	[sflag:s20] =	ssyncadd.s32 $0xFFFFC000  }
0x21a: {  	_ =	swait.ge [sflag:s12], $0x4000  }
0x21b: {  	[sflag:s12] =	ssyncset.done $0x0  }
0x21c: {  	[sflag:s12] =	ssyncadd.s32 $0xFFFFC000  }
0x21d: {  	_ =	swait.ge [sflag:s14], $0x4000  }
0x21e: {  	[sflag:s14] =	ssyncset.done $0x0  }
0x21f: {  	[sflag:s14] =	ssyncadd.s32 $0xFFFFC000  }
0x220: {  	_ =	swait.ge [sflag:s19], $0x4000  }
0x221: {  	[sflag:s19] =	ssyncset.done $0x0  }
0x222: {  	[sflag:s19] =	ssyncadd.s32 $0xFFFFC000  }
0x223: {  	_ =	swait.ge [sflag:s7], $0x4000  }
0x224: {  	s22 =	rddreg [dreg:$0x16]  }
0x225: {  	s26 =	rddreg [dreg:$0x14];
	s0 =	sadd.s32 $0x1, s22  }
0x226: {  	p0 =	sne.s32 s0, s26  }
.Ltmp1:
0x227: {  	_ = 	snop;
	(pc) =	sbr.rel @p0 .LBB2_1-.Ltmp1, $4  }
0x228: {  	_ = 	snop  }
0x229: {  	[sflag:s7] =	ssyncset.done $0x0  }
0x22a: {  	s29 =	simm.s32 $0xD000;
	s28 =	simm.s32 $0x13800;
	[sflag:s7] =	ssyncadd.s32 $0xFFFFC000  }
0x22b: {  	s22 =	simm.s32 $0x12000;
	s7 =	simm.s32 $0x12800;
	s26 =	simm.s32 $0x11800  }
0x22c: {  	_ =	sfence.sel $0x180000  }
0x22d: {  	[bflag:$0x0] =	sbarrier.arrive $0xFFFF  }
0x22e: {  	_ =	strace $0x90000047  }
0x22f: {  	s0 =	stileid.u32;
	[bflag:$0x2] =	sbarrier.arrive $0xFFFF  }
0x230: {  	p0 =	sne.s32 s0, $0x0;
	s0 =	rddreg [dreg:$0x3]  }
0x231: {  	s0 =	sadd.s32 @!p0 $0x100000, s0  }
0x232: {  	[sflag:s0] =	ssyncadd.tile.s32 @!p0 $0x1;
	_ =	shalt  }
.Lfunc_end2:
_tile_overlayer_lowered:
.L_overlay_start_2:
0x233: {  	(tag) =	ssettag $0x2  }
0x234: {  	s0 =	rddreg [dreg:$0x0];
	s2 =	stileid.u32  }
0x235: {  	s1 =	rddreg [dreg:$0x1];
	p0 =	sne.s32 s2, $0x0  }
0x236: {  	s3 =	rddreg [dreg:$0x2];
	[bflag:$0x3] =	sbarrier.arrive $0xFFFF;
	s2 =	simm.s32 @!p0 $0x1C0D  }
0x237: {  	[timem:s3], [sflag:s2] =	dma.local @!p0 [hbm:s0], s1  }
0x238: {  	s0 =	simm.s32 @!p0 $0xD  }
0x239: {  	_ =	swait.ge @!p0 [sflag:s0], s1  }
0x23a: {  	s1 =	ssub.s32 @!p0 $0x0, s1;
	[sflag:s0] =	ssyncset.done @!p0 $0x0  }
0x23b: {  	[sflag:s0] =	ssyncadd.s32 @!p0 s1  }
0x23c: {  	[bflag:$0x3] =	sbarrier.arrive $0xFFFF  }
0x23d: {  	_ =	shalt  }

</sc_bundles>
